<compile_context>
chip_gen: v7x
topology: tpu7x:2x2x1
jax: 0.10.2.dev20260603
libtpu: 0.0.44.dev20260713+nightly
codegen_flags: <defaults>
</compile_context>

<pallas_src>
import functools

import jax
import jax.numpy as jnp
from jax import lax
from jax.experimental import pallas as pl
from jax.experimental.pallas import tpu as pltpu
from jax.experimental.pallas import tpu_sc as plsc

N_NODES = 10000
N_EDGES = 320000
D_FEAT = 128

_info = plsc.get_sparse_core_info()
_NC, _NS, _L = _info.num_cores, _info.num_subcores, _info.num_lanes
_NW = _NC * _NS
_EPW = N_EDGES // _NW
_UNROLL = 8
_AWIN = ((_EPW + 127) // 128 + 1) * 128 - 128 + 128


def _proj_body(emb_ref, w_ref, b_ref, u_ref, v_ref):
    e = emb_ref[...]
    wd = w_ref[1:2, :, :] - w_ref[0:1, :, :]
    wu = wd[0, 0:1, :]
    wv = wd[0, 1:2, :]
    db = b_ref[0, 1] - b_ref[0, 0]
    dn = (((1,), (1,)), ((), ()))
    qu = lax.dot_general(wu, e, dn, preferred_element_type=jnp.float32)
    qv = lax.dot_general(wv, e, dn, preferred_element_type=jnp.float32)
    u_ref[...] = jnp.exp(jnp.clip(qu[0, :] + db, -60.0, 60.0))
    v_ref[...] = jnp.exp(jnp.clip(qv[0, :], -60.0, 60.0))


def _project(emb, W, b):
    return pl.pallas_call(
        _proj_body,
        out_shape=[
            jax.ShapeDtypeStruct((N_NODES,), jnp.float32),
            jax.ShapeDtypeStruct((N_NODES,), jnp.float32),
        ],
        in_specs=[
            pl.BlockSpec(memory_space=pltpu.VMEM),
            pl.BlockSpec(memory_space=pltpu.VMEM),
            pl.BlockSpec(memory_space=pltpu.SMEM),
        ],
        out_specs=[
            pl.BlockSpec(memory_space=pltpu.VMEM),
            pl.BlockSpec(memory_space=pltpu.VMEM),
        ],
    )(emb, W.reshape(2, 2, D_FEAT), b.reshape(1, 2))


_mesh = plsc.VectorSubcoreMesh(core_axis_name="c", subcore_axis_name="s")


@functools.partial(
    pl.kernel,
    mesh=_mesh,
    compiler_params=pltpu.CompilerParams(needs_layout_passes=False),
    out_type=jax.ShapeDtypeStruct((2 * N_EDGES,), jnp.float32),
    scratch_types=[
        pltpu.VMEM((N_NODES,), jnp.float32),
        pltpu.VMEM((N_NODES,), jnp.float32),
        pltpu.VMEM((2, _AWIN), jnp.int32),
        pltpu.VMEM((_EPW,), jnp.float32),
        pltpu.VMEM((_EPW,), jnp.float32),
        pltpu.VMEM_SHARED((N_NODES,), jnp.float32),
        pltpu.VMEM_SHARED((N_NODES,), jnp.float32),
        pltpu.SemaphoreType.DMA,
    ],
)
def _edge_kernel(u_hbm, v_hbm, eidx_hbm, out_hbm,
                 u_v, v_v, idx_v, p0_v, p1_v, u_sh, v_sh, sem):
    sid = lax.axis_index("s")
    wid = sid * _NC + lax.axis_index("c")
    base = wid * _EPW
    lo = pl.multiple_of((base // 128) * 128, 128)
    sh = base - lo
    c3 = pltpu.async_copy(eidx_hbm.at[:, pl.ds(lo, _AWIN)], idx_v, sem)

    @pl.when(sid == 0)
    def _fill():
        pltpu.sync_copy(u_hbm, u_sh)
        pltpu.sync_copy(v_hbm, v_sh)
    plsc.subcore_barrier()
    c1 = pltpu.async_copy(u_sh, u_v, sem)
    c2 = pltpu.async_copy(v_sh, v_v, sem)
    c1.wait()
    c2.wait()
    c3.wait()

    half = _EPW // 2

    @plsc.parallel_loop(0, half // _L, step=1, unroll=_UNROLL)
    def _loop_a(i):
        off = i * _L
        r = idx_v[0, pl.ds(sh + off, _L)]
        c = idx_v[1, pl.ds(sh + off, _L)]
        us = plsc.load_gather(u_v, [r])
        vs = plsc.load_gather(v_v, [c])
        ed = us * vs
        p0 = 1.0 / (1.0 + ed)
        p0_v[pl.ds(off, _L)] = p0
        p1_v[pl.ds(off, _L)] = 1.0 - p0
    o1 = pltpu.async_copy(p0_v.at[pl.ds(0, half)], out_hbm.at[pl.ds(base, half)], sem)
    o2 = pltpu.async_copy(p1_v.at[pl.ds(0, half)],
                          out_hbm.at[pl.ds(N_EDGES + base, half)], sem)

    @plsc.parallel_loop(half // _L, _EPW // _L, step=1, unroll=_UNROLL)
    def _loop_b(i):
        off = i * _L
        r = idx_v[0, pl.ds(sh + off, _L)]
        c = idx_v[1, pl.ds(sh + off, _L)]
        us = plsc.load_gather(u_v, [r])
        vs = plsc.load_gather(v_v, [c])
        ed = us * vs
        p0 = 1.0 / (1.0 + ed)
        p0_v[pl.ds(off, _L)] = p0
        p1_v[pl.ds(off, _L)] = 1.0 - p0
    o3 = pltpu.async_copy(p0_v.at[pl.ds(half, half)],
                          out_hbm.at[pl.ds(base + half, half)], sem)
    o4 = pltpu.async_copy(p1_v.at[pl.ds(half, half)],
                          out_hbm.at[pl.ds(N_EDGES + base + half, half)], sem)
    o1.wait()
    o2.wait()
    o3.wait()
    o4.wait()


def kernel(node_embeddings, edge_index, W, b):
    u, v = _project(node_embeddings, W, b)
    eidx = edge_index.astype(jnp.int32)
    out_flat = _edge_kernel(u, v, eidx)
    return out_flat.reshape(2, N_EDGES).T

# --- scband reference (transcript-rebuilt; emitter-appended) ---
"""Pipeline reference for scband-edge-attention-19550691131403 (READ-ONLY COPY).

The authoritative reference and input builder live on the scoring server;
editing this copy changes nothing except your own understanding.
"""

import jax, jax.numpy as jnp
import numpy as np

N_NODES = 10000
N_EDGES = 320000
D_FEAT = 128

def setup_inputs(seed: int = 0) -> dict:
    key = jax.random.key(seed)
    k1, k2, k3, k4 = jax.random.split(key, 4)
    node_embeddings = jax.random.normal(k1, (N_NODES, D_FEAT), dtype=jnp.float32)
    edge_index = jax.random.randint(k2, (2, N_EDGES), 0, N_NODES, dtype=jnp.int64)
    # torch Linear(in_features*2, 2): weight [2, 256], bias [2]
    fan_in = D_FEAT * 2
    bound = 1.0 / np.sqrt(fan_in)
    W = jax.random.uniform(k3, (2, fan_in), minval=-bound, maxval=bound, dtype=jnp.float32)
    b = jax.random.uniform(k4, (2,), minval=-bound, maxval=bound, dtype=jnp.float32)
    return {"node_embeddings": node_embeddings, "edge_index": edge_index, "W": W, "b": b}

def reference(node_embeddings, edge_index, W, b):
    row = edge_index[0]
    col = edge_index[1]
    # gather source/dest node features and concatenate -> [E, 2*d]
    edge_feature = jnp.concatenate([jnp.take(node_embeddings, row, axis=0),
                                    jnp.take(node_embeddings, col, axis=0)], axis=-1)
    attn_scores = edge_feature @ W.T + b
    attn_scores = jax.nn.softmax(attn_scores, axis=-1)
    # dropout is identity in inference/reference mode
    return attn_scores

if __name__ == "__main__":
    import jax
    _d = setup_inputs()
    print(jax.jit(kernel)(*tuple(_d.values())))

</pallas_src>

<mosaic_0001>
#map = affine_map<(d0, d1) -> (0)>
#map1 = affine_map<(d0, d1) -> (0, 0)>
module attributes {stable_mosaic.version = 14 : i64} {
  func.func @_edge_kernel(%arg0: i32, %arg1: i32, %arg2: memref<10000xf32, #tpu.memory_space<hbm>>, %arg3: memref<10000xf32, #tpu.memory_space<hbm>>, %arg4: memref<2x320000xi32, #tpu.memory_space<hbm>>, %arg5: memref<640000xf32, #tpu.memory_space<hbm>>, %arg6: memref<10000xf32, #tpu.memory_space<vmem>>, %arg7: memref<10000xf32, #tpu.memory_space<vmem>>, %arg8: memref<2x10240xi32, #tpu.memory_space<vmem>>, %arg9: memref<10000xf32, #tpu.memory_space<vmem>>, %arg10: memref<10000xf32, #tpu.memory_space<vmem>>, %arg11: memref<10000xf32, #tpu.memory_space<vmem_shared>>, %arg12: memref<10000xf32, #tpu.memory_space<vmem_shared>>, %arg13: memref<!tpu.dma_semaphore, #tpu.memory_space<semaphore_mem>>) attributes {dimension_semantics = [#tpu.dimension_semantics<core_parallel>, #tpu.dimension_semantics<subcore_parallel>], iteration_bounds = array<i64: 2, 16>, scalar_prefetch = 0 : i64, scratch_operands = 8 : i64, tpu.core_type = #tpu.core_type<sc_vector_subcore>, window_params = [{transform_indices = #map}, {transform_indices = #map}, {transform_indices = #map1}, {transform_indices = #map}]} {
    %mul3A = arith.constant 2 : i32
    %mul3A_0 = arith.muli %arg1, %mul3A : i32
    %add3A = arith.addi %mul3A_0, %arg0 : i32
    %mul3A_1 = arith.constant 10000 : i32
    %mul3A_2 = arith.muli %add3A, %mul3A_1 : i32
    %jit3A = arith.constant 128 : i32
    %div3A = arith.divsi %mul3A_2, %jit3A : i32
    %sign3A = arith.constant 0 : i32
    %sign3A_3 = arith.cmpi sgt, %mul3A_2, %sign3A : i32
    %sign3A_4 = arith.extui %sign3A_3 : i1 to i32
    %sign3A_5 = arith.constant 0 : i32
    %sign3A_6 = arith.cmpi slt, %mul3A_2, %sign3A_5 : i32
    %sign3A_7 = arith.extui %sign3A_6 : i1 to i32
    %sign3A_8 = arith.subi %sign3A_4, %sign3A_7 : i32
    %sign3A_9 = arith.constant 0 : i32
    %sign3A_10 = arith.cmpi sgt, %jit3A, %sign3A_9 : i32
    %sign3A_11 = arith.extui %sign3A_10 : i1 to i32
    %sign3A_12 = arith.constant 0 : i32
    %sign3A_13 = arith.cmpi slt, %jit3A, %sign3A_12 : i32
    %sign3A_14 = arith.extui %sign3A_13 : i1 to i32
    %sign3A_15 = arith.subi %sign3A_11, %sign3A_14 : i32
    %ne3A = arith.cmpi ne, %sign3A_8, %sign3A_15 : i32
    %rem3A = arith.remsi %mul3A_2, %jit3A : i32
    %ne3A_16 = arith.constant 0 : i32
    %ne3A_17 = arith.cmpi ne, %rem3A, %ne3A_16 : i32
    %and3A = arith.andi %ne3A, %ne3A_17 : i1
    %sub3A = arith.constant 1 : i32
    %sub3A_18 = arith.subi %div3A, %sub3A : i32
    %select_n3A = arith.select %and3A, %sub3A_18, %div3A : i32
    %mul3A_19 = arith.constant 128 : i32
    %mul3A_20 = arith.muli %select_n3A, %mul3A_19 : i32
    %multiple_of3A = tpu.assume_multiple %mul3A_20, 128 : i32
    %sub3A_21 = arith.subi %mul3A_2, %multiple_of3A : i32
    %dma_start3A = arith.constant 0 : i32
    %dma_start3A_22 = tpu.memref_slice %arg4[%dma_start3A, %multiple_of3A] : memref<2x320000xi32, #tpu.memory_space<hbm>> -> memref<2x10240xi32, #tpu.memory_space<hbm>>
    %dma_start3A_23 = arith.constant 0 : i32
    %dma_start3A_24 = tpu.memref_slice %arg4[%dma_start3A_23, %multiple_of3A] : memref<2x320000xi32, #tpu.memory_space<hbm>> -> memref<2x10240xi32, #tpu.memory_space<hbm>>
    tpu.enqueue_dma source(%dma_start3A_24 : memref<2x10240xi32, #tpu.memory_space<hbm>>) target(%arg8 : memref<2x10240xi32, #tpu.memory_space<vmem>>) target_semaphore(%arg13 : memref<!tpu.dma_semaphore, #tpu.memory_space<semaphore_mem>>)
    %eq3A = arith.constant 0 : i32
    %eq3A_25 = arith.cmpi eq, %arg1, %eq3A : i32
    %convert_element_type3A = arith.extui %eq3A_25 : i1 to i32
    %cond3A = arith.constant 0 : i32
    %cond3A_26 = arith.cmpi ne, %convert_element_type3A, %cond3A : i32
    scf.if %cond3A_26 {
      "tpu.region"() ({
        %run_scoped3A = tpu.sem_alloc : memref<!tpu.dma_semaphore, #tpu.memory_space<semaphore_mem>>
        tpu.enqueue_dma source(%arg2 : memref<10000xf32, #tpu.memory_space<hbm>>) target(%arg11 : memref<10000xf32, #tpu.memory_space<vmem_shared>>) target_semaphore(%run_scoped3A : memref<!tpu.dma_semaphore, #tpu.memory_space<semaphore_mem>>)
        tpu.wait_dma2 semaphore(%run_scoped3A : memref<!tpu.dma_semaphore, #tpu.memory_space<semaphore_mem>>) src(%arg2 : memref<10000xf32, #tpu.memory_space<hbm>>) dst(%arg11 : memref<10000xf32, #tpu.memory_space<vmem_shared>>)
        tpu.yield
      }) : () -> ()
      "tpu.region"() ({
        %run_scoped3A = tpu.sem_alloc : memref<!tpu.dma_semaphore, #tpu.memory_space<semaphore_mem>>
        tpu.enqueue_dma source(%arg3 : memref<10000xf32, #tpu.memory_space<hbm>>) target(%arg12 : memref<10000xf32, #tpu.memory_space<vmem_shared>>) target_semaphore(%run_scoped3A : memref<!tpu.dma_semaphore, #tpu.memory_space<semaphore_mem>>)
        tpu.wait_dma2 semaphore(%run_scoped3A : memref<!tpu.dma_semaphore, #tpu.memory_space<semaphore_mem>>) src(%arg3 : memref<10000xf32, #tpu.memory_space<hbm>>) dst(%arg12 : memref<10000xf32, #tpu.memory_space<vmem_shared>>)
        tpu.yield
      }) : () -> ()
    } else {
    }
    %barrier3A = arith.constant 0 : index
    tpu.barrier barrier_id(%barrier3A)
    tpu.enqueue_dma source(%arg11 : memref<10000xf32, #tpu.memory_space<vmem_shared>>) target(%arg6 : memref<10000xf32, #tpu.memory_space<vmem>>) target_semaphore(%arg13 : memref<!tpu.dma_semaphore, #tpu.memory_space<semaphore_mem>>)
    tpu.enqueue_dma source(%arg12 : memref<10000xf32, #tpu.memory_space<vmem_shared>>) target(%arg7 : memref<10000xf32, #tpu.memory_space<vmem>>) target_semaphore(%arg13 : memref<!tpu.dma_semaphore, #tpu.memory_space<semaphore_mem>>)
    tpu.wait_dma2 semaphore(%arg13 : memref<!tpu.dma_semaphore, #tpu.memory_space<semaphore_mem>>) src(%arg11 : memref<10000xf32, #tpu.memory_space<vmem_shared>>) dst(%arg6 : memref<10000xf32, #tpu.memory_space<vmem>>)
    tpu.wait_dma2 semaphore(%arg13 : memref<!tpu.dma_semaphore, #tpu.memory_space<semaphore_mem>>) src(%arg12 : memref<10000xf32, #tpu.memory_space<vmem_shared>>) dst(%arg7 : memref<10000xf32, #tpu.memory_space<vmem>>)
    %dma_wait3A = arith.constant 0 : i32
    %dma_wait3A_27 = tpu.memref_slice %arg4[%dma_wait3A, %multiple_of3A] : memref<2x320000xi32, #tpu.memory_space<hbm>> -> memref<2x10240xi32, #tpu.memory_space<hbm>>
    %dma_wait3A_28 = arith.constant 0 : i32
    %dma_wait3A_29 = tpu.memref_slice %arg4[%dma_wait3A_28, %multiple_of3A] : memref<2x320000xi32, #tpu.memory_space<hbm>> -> memref<2x10240xi32, #tpu.memory_space<hbm>>
    tpu.wait_dma2 semaphore(%arg13 : memref<!tpu.dma_semaphore, #tpu.memory_space<semaphore_mem>>) src(%dma_wait3A_29 : memref<2x10240xi32, #tpu.memory_space<hbm>>) dst(%arg8 : memref<2x10240xi32, #tpu.memory_space<vmem>>)
    %parallel_loop3A = arith.constant 0 : i32
    %parallel_loop3A_30 = arith.constant 312 : i32
    %parallel_loop3A_31 = arith.constant 1 : i32
    scf.for %parallel_loop3A_91 = %parallel_loop3A to %parallel_loop3A_30 step %parallel_loop3A_31  : i32 {
      %parallel_loop3A_92 = arith.constant 16 : i32
      %parallel_loop3A_93 = arith.muli %parallel_loop3A_91, %parallel_loop3A_92 : i32
      %parallel_loop3A_94 = arith.addi %sub3A_21, %parallel_loop3A_93 : i32
      %parallel_loop3A_95 = arith.constant 0 : i32
      %parallel_loop3A_96 = arith.index_cast %parallel_loop3A_95 : i32 to index
      %parallel_loop3A_97 = arith.index_cast %parallel_loop3A_94 : i32 to index
      %parallel_loop3A_98 = tpu.vector_load %arg8[%parallel_loop3A_96, %parallel_loop3A_97] {strides = array<i32>} : memref<2x10240xi32, #tpu.memory_space<vmem>>, vector<16xi32>,
      %parallel_loop3A_99 = arith.addi %sub3A_21, %parallel_loop3A_93 : i32
      %parallel_loop3A_100 = arith.constant 1 : i32
      %parallel_loop3A_101 = arith.index_cast %parallel_loop3A_100 : i32 to index
      %parallel_loop3A_102 = arith.index_cast %parallel_loop3A_99 : i32 to index
      %parallel_loop3A_103 = tpu.vector_load %arg8[%parallel_loop3A_101, %parallel_loop3A_102] {strides = array<i32>} : memref<2x10240xi32, #tpu.memory_space<vmem>>, vector<16xi32>,
      %parallel_loop3A_104 = tpu.vector_load_idx %arg6[%parallel_loop3A_98] : memref<10000xf32, #tpu.memory_space<vmem>>[vector<16xi32>], vector<16xf32>,
      %parallel_loop3A_105 = tpu.vector_load_idx %arg7[%parallel_loop3A_103] : memref<10000xf32, #tpu.memory_space<vmem>>[vector<16xi32>], vector<16xf32>,
      %parallel_loop3A_106 = arith.mulf %parallel_loop3A_104, %parallel_loop3A_105 : vector<16xf32>
      %parallel_loop3A_107 = arith.constant 1.000000e+00 : f32
      %parallel_loop3A_108 = vector.broadcast %parallel_loop3A_107 : f32 to vector<16xf32>
      %parallel_loop3A_109 = arith.addf %parallel_loop3A_108, %parallel_loop3A_106 : vector<16xf32>
      %parallel_loop3A_110 = arith.constant 1.000000e+00 : f32
      %parallel_loop3A_111 = vector.broadcast %parallel_loop3A_110 : f32 to vector<16xf32>
      %parallel_loop3A_112 = arith.divf %parallel_loop3A_111, %parallel_loop3A_109 : vector<16xf32>
      %parallel_loop3A_113 = arith.index_cast %parallel_loop3A_93 : i32 to index
      %parallel_loop3A_114 = tpu.vector_load %arg9[%parallel_loop3A_113] {strides = array<i32>} : memref<10000xf32, #tpu.memory_space<vmem>>, vector<16xf32>,
      tpu.vector_store %arg9[%parallel_loop3A_113], %parallel_loop3A_112 {strides = array<i32>} : memref<10000xf32, #tpu.memory_space<vmem>>, vector<16xf32>,
      %parallel_loop3A_115 = arith.constant 1.000000e+00 : f32
      %parallel_loop3A_116 = vector.broadcast %parallel_loop3A_115 : f32 to vector<16xf32>
      %parallel_loop3A_117 = arith.subf %parallel_loop3A_116, %parallel_loop3A_112 : vector<16xf32>
      %parallel_loop3A_118 = arith.index_cast %parallel_loop3A_93 : i32 to index
      %parallel_loop3A_119 = tpu.vector_load %arg10[%parallel_loop3A_118] {strides = array<i32>} : memref<10000xf32, #tpu.memory_space<vmem>>, vector<16xf32>,
      tpu.vector_store %arg10[%parallel_loop3A_118], %parallel_loop3A_117 {strides = array<i32>} : memref<10000xf32, #tpu.memory_space<vmem>>, vector<16xf32>,
    } {sc.loop_unroll_factor = 8 : i64, sc.parallel_access}
    %dma_start3A_32 = arith.constant 0 : i32
    %dma_start3A_33 = tpu.memref_slice %arg9[%dma_start3A_32] : memref<10000xf32, #tpu.memory_space<vmem>> -> memref<5000xf32, #tpu.memory_space<vmem>>
    %dma_start3A_34 = tpu.memref_slice %arg5[%mul3A_2] : memref<640000xf32, #tpu.memory_space<hbm>> -> memref<5000xf32, #tpu.memory_space<hbm>>
    %dma_start3A_35 = tpu.memref_slice %arg5[%mul3A_2] : memref<640000xf32, #tpu.memory_space<hbm>> -> memref<5000xf32, #tpu.memory_space<hbm>>
    %dma_start3A_36 = arith.constant 0 : i32
    %dma_start3A_37 = tpu.memref_slice %arg9[%dma_start3A_36] : memref<10000xf32, #tpu.memory_space<vmem>> -> memref<5000xf32, #tpu.memory_space<vmem>>
    tpu.enqueue_dma source(%dma_start3A_37 : memref<5000xf32, #tpu.memory_space<vmem>>) target(%dma_start3A_35 : memref<5000xf32, #tpu.memory_space<hbm>>) target_semaphore(%arg13 : memref<!tpu.dma_semaphore, #tpu.memory_space<semaphore_mem>>)
    %add3A_38 = arith.constant 320000 : i32
    %add3A_39 = arith.addi %add3A_38, %mul3A_2 : i32
    %dma_start3A_40 = arith.constant 0 : i32
    %dma_start3A_41 = tpu.memref_slice %arg10[%dma_start3A_40] : memref<10000xf32, #tpu.memory_space<vmem>> -> memref<5000xf32, #tpu.memory_space<vmem>>
    %dma_start3A_42 = tpu.memref_slice %arg5[%add3A_39] : memref<640000xf32, #tpu.memory_space<hbm>> -> memref<5000xf32, #tpu.memory_space<hbm>>
    %dma_start3A_43 = tpu.memref_slice %arg5[%add3A_39] : memref<640000xf32, #tpu.memory_space<hbm>> -> memref<5000xf32, #tpu.memory_space<hbm>>
    %dma_start3A_44 = arith.constant 0 : i32
    %dma_start3A_45 = tpu.memref_slice %arg10[%dma_start3A_44] : memref<10000xf32, #tpu.memory_space<vmem>> -> memref<5000xf32, #tpu.memory_space<vmem>>
    tpu.enqueue_dma source(%dma_start3A_45 : memref<5000xf32, #tpu.memory_space<vmem>>) target(%dma_start3A_43 : memref<5000xf32, #tpu.memory_space<hbm>>) target_semaphore(%arg13 : memref<!tpu.dma_semaphore, #tpu.memory_space<semaphore_mem>>)
    %parallel_loop3A_46 = arith.constant 312 : i32
    %parallel_loop3A_47 = arith.constant 625 : i32
    %parallel_loop3A_48 = arith.constant 1 : i32
    scf.for %parallel_loop3A_91 = %parallel_loop3A_46 to %parallel_loop3A_47 step %parallel_loop3A_48  : i32 {
      %parallel_loop3A_92 = arith.constant 16 : i32
      %parallel_loop3A_93 = arith.muli %parallel_loop3A_91, %parallel_loop3A_92 : i32
      %parallel_loop3A_94 = arith.addi %sub3A_21, %parallel_loop3A_93 : i32
      %parallel_loop3A_95 = arith.constant 0 : i32
      %parallel_loop3A_96 = arith.index_cast %parallel_loop3A_95 : i32 to index
      %parallel_loop3A_97 = arith.index_cast %parallel_loop3A_94 : i32 to index
      %parallel_loop3A_98 = tpu.vector_load %arg8[%parallel_loop3A_96, %parallel_loop3A_97] {strides = array<i32>} : memref<2x10240xi32, #tpu.memory_space<vmem>>, vector<16xi32>,
      %parallel_loop3A_99 = arith.addi %sub3A_21, %parallel_loop3A_93 : i32
      %parallel_loop3A_100 = arith.constant 1 : i32
      %parallel_loop3A_101 = arith.index_cast %parallel_loop3A_100 : i32 to index
      %parallel_loop3A_102 = arith.index_cast %parallel_loop3A_99 : i32 to index
      %parallel_loop3A_103 = tpu.vector_load %arg8[%parallel_loop3A_101, %parallel_loop3A_102] {strides = array<i32>} : memref<2x10240xi32, #tpu.memory_space<vmem>>, vector<16xi32>,
      %parallel_loop3A_104 = tpu.vector_load_idx %arg6[%parallel_loop3A_98] : memref<10000xf32, #tpu.memory_space<vmem>>[vector<16xi32>], vector<16xf32>,
      %parallel_loop3A_105 = tpu.vector_load_idx %arg7[%parallel_loop3A_103] : memref<10000xf32, #tpu.memory_space<vmem>>[vector<16xi32>], vector<16xf32>,
      %parallel_loop3A_106 = arith.mulf %parallel_loop3A_104, %parallel_loop3A_105 : vector<16xf32>
      %parallel_loop3A_107 = arith.constant 1.000000e+00 : f32
      %parallel_loop3A_108 = vector.broadcast %parallel_loop3A_107 : f32 to vector<16xf32>
      %parallel_loop3A_109 = arith.addf %parallel_loop3A_108, %parallel_loop3A_106 : vector<16xf32>
      %parallel_loop3A_110 = arith.constant 1.000000e+00 : f32
      %parallel_loop3A_111 = vector.broadcast %parallel_loop3A_110 : f32 to vector<16xf32>
      %parallel_loop3A_112 = arith.divf %parallel_loop3A_111, %parallel_loop3A_109 : vector<16xf32>
      %parallel_loop3A_113 = arith.index_cast %parallel_loop3A_93 : i32 to index
      %parallel_loop3A_114 = tpu.vector_load %arg9[%parallel_loop3A_113] {strides = array<i32>} : memref<10000xf32, #tpu.memory_space<vmem>>, vector<16xf32>,
      tpu.vector_store %arg9[%parallel_loop3A_113], %parallel_loop3A_112 {strides = array<i32>} : memref<10000xf32, #tpu.memory_space<vmem>>, vector<16xf32>,
      %parallel_loop3A_115 = arith.constant 1.000000e+00 : f32
      %parallel_loop3A_116 = vector.broadcast %parallel_loop3A_115 : f32 to vector<16xf32>
      %parallel_loop3A_117 = arith.subf %parallel_loop3A_116, %parallel_loop3A_112 : vector<16xf32>
      %parallel_loop3A_118 = arith.index_cast %parallel_loop3A_93 : i32 to index
      %parallel_loop3A_119 = tpu.vector_load %arg10[%parallel_loop3A_118] {strides = array<i32>} : memref<10000xf32, #tpu.memory_space<vmem>>, vector<16xf32>,
      tpu.vector_store %arg10[%parallel_loop3A_118], %parallel_loop3A_117 {strides = array<i32>} : memref<10000xf32, #tpu.memory_space<vmem>>, vector<16xf32>,
    } {sc.loop_unroll_factor = 8 : i64, sc.parallel_access}
    %add3A_49 = arith.constant 5000 : i32
    %add3A_50 = arith.addi %mul3A_2, %add3A_49 : i32
    %dma_start3A_51 = arith.constant 5000 : i32
    %dma_start3A_52 = tpu.memref_slice %arg9[%dma_start3A_51] : memref<10000xf32, #tpu.memory_space<vmem>> -> memref<5000xf32, #tpu.memory_space<vmem>>
    %dma_start3A_53 = tpu.memref_slice %arg5[%add3A_50] : memref<640000xf32, #tpu.memory_space<hbm>> -> memref<5000xf32, #tpu.memory_space<hbm>>
    %dma_start3A_54 = tpu.memref_slice %arg5[%add3A_50] : memref<640000xf32, #tpu.memory_space<hbm>> -> memref<5000xf32, #tpu.memory_space<hbm>>
    %dma_start3A_55 = arith.constant 5000 : i32
    %dma_start3A_56 = tpu.memref_slice %arg9[%dma_start3A_55] : memref<10000xf32, #tpu.memory_space<vmem>> -> memref<5000xf32, #tpu.memory_space<vmem>>
    tpu.enqueue_dma source(%dma_start3A_56 : memref<5000xf32, #tpu.memory_space<vmem>>) target(%dma_start3A_54 : memref<5000xf32, #tpu.memory_space<hbm>>) target_semaphore(%arg13 : memref<!tpu.dma_semaphore, #tpu.memory_space<semaphore_mem>>)
    %add3A_57 = arith.constant 320000 : i32
    %add3A_58 = arith.addi %add3A_57, %mul3A_2 : i32
    %add3A_59 = arith.constant 5000 : i32
    %add3A_60 = arith.addi %add3A_58, %add3A_59 : i32
    %dma_start3A_61 = arith.constant 5000 : i32
    %dma_start3A_62 = tpu.memref_slice %arg10[%dma_start3A_61] : memref<10000xf32, #tpu.memory_space<vmem>> -> memref<5000xf32, #tpu.memory_space<vmem>>
    %dma_start3A_63 = tpu.memref_slice %arg5[%add3A_60] : memref<640000xf32, #tpu.memory_space<hbm>> -> memref<5000xf32, #tpu.memory_space<hbm>>
    %dma_start3A_64 = tpu.memref_slice %arg5[%add3A_60] : memref<640000xf32, #tpu.memory_space<hbm>> -> memref<5000xf32, #tpu.memory_space<hbm>>
    %dma_start3A_65 = arith.constant 5000 : i32
    %dma_start3A_66 = tpu.memref_slice %arg10[%dma_start3A_65] : memref<10000xf32, #tpu.memory_space<vmem>> -> memref<5000xf32, #tpu.memory_space<vmem>>
    tpu.enqueue_dma source(%dma_start3A_66 : memref<5000xf32, #tpu.memory_space<vmem>>) target(%dma_start3A_64 : memref<5000xf32, #tpu.memory_space<hbm>>) target_semaphore(%arg13 : memref<!tpu.dma_semaphore, #tpu.memory_space<semaphore_mem>>)
    %dma_wait3A_67 = arith.constant 0 : i32
    %dma_wait3A_68 = tpu.memref_slice %arg9[%dma_wait3A_67] : memref<10000xf32, #tpu.memory_space<vmem>> -> memref<5000xf32, #tpu.memory_space<vmem>>
    %dma_wait3A_69 = tpu.memref_slice %arg5[%mul3A_2] : memref<640000xf32, #tpu.memory_space<hbm>> -> memref<5000xf32, #tpu.memory_space<hbm>>
    %dma_wait3A_70 = tpu.memref_slice %arg5[%mul3A_2] : memref<640000xf32, #tpu.memory_space<hbm>> -> memref<5000xf32, #tpu.memory_space<hbm>>
    %dma_wait3A_71 = arith.constant 0 : i32
    %dma_wait3A_72 = tpu.memref_slice %arg9[%dma_wait3A_71] : memref<10000xf32, #tpu.memory_space<vmem>> -> memref<5000xf32, #tpu.memory_space<vmem>>
    tpu.wait_dma2 semaphore(%arg13 : memref<!tpu.dma_semaphore, #tpu.memory_space<semaphore_mem>>) src(%dma_wait3A_72 : memref<5000xf32, #tpu.memory_space<vmem>>) dst(%dma_wait3A_70 : memref<5000xf32, #tpu.memory_space<hbm>>)
    %dma_wait3A_73 = arith.constant 0 : i32
    %dma_wait3A_74 = tpu.memref_slice %arg10[%dma_wait3A_73] : memref<10000xf32, #tpu.memory_space<vmem>> -> memref<5000xf32, #tpu.memory_space<vmem>>
    %dma_wait3A_75 = tpu.memref_slice %arg5[%add3A_39] : memref<640000xf32, #tpu.memory_space<hbm>> -> memref<5000xf32, #tpu.memory_space<hbm>>
    %dma_wait3A_76 = tpu.memref_slice %arg5[%add3A_39] : memref<640000xf32, #tpu.memory_space<hbm>> -> memref<5000xf32, #tpu.memory_space<hbm>>
    %dma_wait3A_77 = arith.constant 0 : i32
    %dma_wait3A_78 = tpu.memref_slice %arg10[%dma_wait3A_77] : memref<10000xf32, #tpu.memory_space<vmem>> -> memref<5000xf32, #tpu.memory_space<vmem>>
    tpu.wait_dma2 semaphore(%arg13 : memref<!tpu.dma_semaphore, #tpu.memory_space<semaphore_mem>>) src(%dma_wait3A_78 : memref<5000xf32, #tpu.memory_space<vmem>>) dst(%dma_wait3A_76 : memref<5000xf32, #tpu.memory_space<hbm>>)
    %dma_wait3A_79 = arith.constant 5000 : i32
    %dma_wait3A_80 = tpu.memref_slice %arg9[%dma_wait3A_79] : memref<10000xf32, #tpu.memory_space<vmem>> -> memref<5000xf32, #tpu.memory_space<vmem>>
    %dma_wait3A_81 = tpu.memref_slice %arg5[%add3A_50] : memref<640000xf32, #tpu.memory_space<hbm>> -> memref<5000xf32, #tpu.memory_space<hbm>>
    %dma_wait3A_82 = tpu.memref_slice %arg5[%add3A_50] : memref<640000xf32, #tpu.memory_space<hbm>> -> memref<5000xf32, #tpu.memory_space<hbm>>
    %dma_wait3A_83 = arith.constant 5000 : i32
    %dma_wait3A_84 = tpu.memref_slice %arg9[%dma_wait3A_83] : memref<10000xf32, #tpu.memory_space<vmem>> -> memref<5000xf32, #tpu.memory_space<vmem>>
    tpu.wait_dma2 semaphore(%arg13 : memref<!tpu.dma_semaphore, #tpu.memory_space<semaphore_mem>>) src(%dma_wait3A_84 : memref<5000xf32, #tpu.memory_space<vmem>>) dst(%dma_wait3A_82 : memref<5000xf32, #tpu.memory_space<hbm>>)
    %dma_wait3A_85 = arith.constant 5000 : i32
    %dma_wait3A_86 = tpu.memref_slice %arg10[%dma_wait3A_85] : memref<10000xf32, #tpu.memory_space<vmem>> -> memref<5000xf32, #tpu.memory_space<vmem>>
    %dma_wait3A_87 = tpu.memref_slice %arg5[%add3A_60] : memref<640000xf32, #tpu.memory_space<hbm>> -> memref<5000xf32, #tpu.memory_space<hbm>>
    %dma_wait3A_88 = tpu.memref_slice %arg5[%add3A_60] : memref<640000xf32, #tpu.memory_space<hbm>> -> memref<5000xf32, #tpu.memory_space<hbm>>
    %dma_wait3A_89 = arith.constant 5000 : i32
    %dma_wait3A_90 = tpu.memref_slice %arg10[%dma_wait3A_89] : memref<10000xf32, #tpu.memory_space<vmem>> -> memref<5000xf32, #tpu.memory_space<vmem>>
    tpu.wait_dma2 semaphore(%arg13 : memref<!tpu.dma_semaphore, #tpu.memory_space<semaphore_mem>>) src(%dma_wait3A_90 : memref<5000xf32, #tpu.memory_space<vmem>>) dst(%dma_wait3A_88 : memref<5000xf32, #tpu.memory_space<hbm>>)
    return
  }
}

module attributes {stable_mosaic.version = 14 : i64} {
  func.func @_proj_body(%arg0: memref<10000x128xf32, #tpu.memory_space<vmem>>, %arg1: memref<2x2x128xf32, #tpu.memory_space<vmem>>, %arg2: memref<1x2xf32, #tpu.memory_space<smem>>, %arg3: memref<10000xf32, #tpu.memory_space<vmem>>, %arg4: memref<10000xf32, #tpu.memory_space<vmem>>) attributes {dimension_semantics = [], scalar_prefetch = 0 : i64, scratch_operands = 0 : i64, tpu.core_type = #tpu.core_type<tc>} {
    %get3A = arith.constant 0 : index
    %get3A_0 = arith.constant 0 : index
    %get3A_1 = vector.load %arg0[%get3A, %get3A_0] : memref<10000x128xf32, #tpu.memory_space<vmem>>, vector<10000x128xf32>
    %get3A_2 = arith.constant 1 : index
    %get3A_3 = arith.constant 0 : index
    %get3A_4 = arith.constant 0 : index
    %get3A_5 = vector.load %arg1[%get3A_2, %get3A_3, %get3A_4] : memref<2x2x128xf32, #tpu.memory_space<vmem>>, vector<1x2x128xf32>
    %get3A_6 = arith.constant 0 : index
    %get3A_7 = arith.constant 0 : index
    %get3A_8 = arith.constant 0 : index
    %get3A_9 = vector.load %arg1[%get3A_6, %get3A_7, %get3A_8] : memref<2x2x128xf32, #tpu.memory_space<vmem>>, vector<1x2x128xf32>
    %sub3A = arith.subf %get3A_5, %get3A_9 : vector<1x2x128xf32>
    %slice3A = vector.extract_strided_slice %sub3A {offsets = [0, 0, 0], sizes = [1, 1, 128], strides = [1, 1, 1]} : vector<1x2x128xf32> to vector<1x1x128xf32>
    %squeeze3A = vector.shape_cast %slice3A : vector<1x1x128xf32> to vector<1x128xf32>
    %slice3A_10 = vector.extract_strided_slice %sub3A {offsets = [0, 1, 0], sizes = [1, 1, 128], strides = [1, 1, 1]} : vector<1x2x128xf32> to vector<1x1x128xf32>
    %squeeze3A_11 = vector.shape_cast %slice3A_10 : vector<1x1x128xf32> to vector<1x128xf32>
    %get3A_12 = arith.constant 0 : index
    %get3A_13 = arith.constant 1 : index
    %get3A_14 = memref.load %arg2[%get3A_12, %get3A_13] : memref<1x2xf32, #tpu.memory_space<smem>>
    %get3A_15 = arith.constant 0 : index
    %get3A_16 = arith.constant 0 : index
    %get3A_17 = memref.load %arg2[%get3A_15, %get3A_16] : memref<1x2xf32, #tpu.memory_space<smem>>
    %sub3A_18 = arith.subf %get3A_14, %get3A_17 : f32
    %dot_general3A = arith.constant dense<0.000000e+00> : vector<1x10000xf32>
    %dot_general3A_19 = tpu.matmul %squeeze3A, %get3A_1, %dot_general3A {dimension_numbers = #tpu.dot_dimension_numbers<[1], [1], [0], [0], [0, 0, 1, 0], [], []>, transpose_lhs_hint = false} : vector<1x128xf32>, vector<10000x128xf32>, vector<1x10000xf32> -> vector<1x10000xf32>
    %dot_general3A_20 = arith.constant dense<0.000000e+00> : vector<1x10000xf32>
    %dot_general3A_21 = tpu.matmul %squeeze3A_11, %get3A_1, %dot_general3A_20 {dimension_numbers = #tpu.dot_dimension_numbers<[1], [1], [0], [0], [0, 0, 1, 0], [], []>, transpose_lhs_hint = false} : vector<1x128xf32>, vector<10000x128xf32>, vector<1x10000xf32> -> vector<1x10000xf32>
    %squeeze3A_22 = vector.shape_cast %dot_general3A_19 : vector<1x10000xf32> to vector<10000xf32>
    %add3A = vector.broadcast %sub3A_18 : f32 to vector<10000xf32>
    %add3A_23 = arith.addf %squeeze3A_22, %add3A : vector<10000xf32>
    %jit3A = arith.constant -6.000000e+01 : f32
    %jit3A_24 = arith.constant 6.000000e+01 : f32
    %max3A = vector.broadcast %jit3A : f32 to vector<10000xf32>
    %max3A_25 = arith.maximumf %max3A, %add3A_23 : vector<10000xf32>
    %min3A = vector.broadcast %jit3A_24 : f32 to vector<10000xf32>
    %min3A_26 = arith.minimumf %min3A, %max3A_25 : vector<10000xf32>
    %exp3A = math.exp %min3A_26 : vector<10000xf32>
    %swap3A = arith.constant 0 : index
    %swap3A_27 = vector.load %arg3[%swap3A] : memref<10000xf32, #tpu.memory_space<vmem>>, vector<10000xf32>
    tpu.vector_store %arg3[%swap3A], %exp3A {strides = array<i32>} : memref<10000xf32, #tpu.memory_space<vmem>>, vector<10000xf32>,
    %squeeze3A_28 = vector.shape_cast %dot_general3A_21 : vector<1x10000xf32> to vector<10000xf32>
    %jit3A_29 = arith.constant -6.000000e+01 : f32
    %jit3A_30 = arith.constant 6.000000e+01 : f32
    %max3A_31 = vector.broadcast %jit3A_29 : f32 to vector<10000xf32>
    %max3A_32 = arith.maximumf %max3A_31, %squeeze3A_28 : vector<10000xf32>
    %min3A_33 = vector.broadcast %jit3A_30 : f32 to vector<10000xf32>
    %min3A_34 = arith.minimumf %min3A_33, %max3A_32 : vector<10000xf32>
    %exp3A_35 = math.exp %min3A_34 : vector<10000xf32>
    %swap3A_36 = arith.constant 0 : index
    %swap3A_37 = vector.load %arg4[%swap3A_36] : memref<10000xf32, #tpu.memory_space<vmem>>, vector<10000xf32>
    tpu.vector_store %arg4[%swap3A_36], %exp3A_35 {strides = array<i32>} : memref<10000xf32, #tpu.memory_space<vmem>>, vector<10000xf32>,
    return
  }
}

</mosaic_0001>

<sc_bundles>
// kernel: kernel.4.cloned.1.call-start
scs
__scs_entry_jumppad:
0x0: {  	(pc) =	sbr.rel $0x88, $3  }
0x1: {  	(tag) =	ssettag $0x0;
	lr =	simm.s32 $0x1  }
0x2: {  	[smem:$0x3F9D] =	sst lr;
	_ =	strace $0xD0000000  }
0x3: {  	_ = 	snop  }
0x4: {  	_ = 	snop  }
0x5: {  	_ = 	snop  }
0x6: {  	_ = 	snop  }
0x7: {  	_ = 	snop  }
__scs_overlays_trampoline_lowered:
0x8: {  	[smem:$0x3FAC] =	sst s0  }
0x9: {  	[smem:$0x3FAD] =	sst s1  }
0xa: {  	[smem:$0x3FAE] =	sst s2  }
0xb: {  	[smem:$0x3FAF] =	sst s3  }
0xc: {  	[smem:$0x3FB0] =	sst s4  }
0xd: {  	[smem:$0x3FB1] =	sst s5  }
0xe: {  	[smem:$0x3FB2] =	sst s6  }
0xf: {  	[smem:$0x3FB3] =	sst s7  }
0x10: {  	[smem:$0x3FB4] =	sst s8  }
0x11: {  	[smem:$0x3FB5] =	sst s9;
	s0 =	simm.s32 @!p0 $0x0  }
0x12: {  	s1 =	sld [smem:$0x3F9B];
	s0 =	simm.s32 @p0 $0x1  }
0x13: {  	[smem:$0x3FB6] =	sst s0;
	s0 =	simm.s32 @!p1 $0x0  }
0x14: {  	s2 =	sld [smem:$0x3F9A];
	s0 =	simm.s32 @p1 $0x1  }
0x15: {  	[smem:$0x3FB7] =	sst s0;
	s0 =	simm.s32 @!p2 $0x0  }
0x16: {  	s3 =	sld [smem:$0x3FDB];
	s0 =	simm.s32 @p2 $0x1  }
0x17: {  	s4 =	simm.s32 $0x1BF5;
	[smem:$0x3FB9] =	sst s0  }
0x18: {  	s0 =	sld [smem:$0x3F9C];
	_ =	swait.ge [sflag:s4], $0x0  }
0x19: {  	s7 =	sld [smem:$0x3F9D]  }
0x1a: {  	s8 =	sadd.s32 $0xFFFFE003, lr  }
0x1b: {  	s9 =	sadd.s32 $0xFFFFFEF7, lr;
	s5 =	simm.s32 $0xFFFFFFFF;
	p2 =	slt.u32 s8, $0xFFFFF086  }
0x1c: {  	p1 =	slt.u32 s9, $0xF7A;
	s5 =	simm.s32 @!p2 $0x0  }
0x1d: {  	s5 =	simm.s32 @p1 $0x1;
	p0 =	seq.s32 s7, s2  }
0x1e: {  	s7 =	smul.u32 @!p0 $0xF7A, s2;
	p2 =	seq.s32 @!p0 s5, $0x0  }
0x1f: {  	s9 =	smul.u32 $0xF7A, s1;
	s8 =	simm.s32 @!p0 $0x1BF5;
	p2 =	por !p2, p0  }
0x20: {  	[sflag:s8] =	ssyncset.s32 @!p0 $0xFFFFF086;
	s6 =	sadd.s32 @!p0 s3, s7;
	s7 =	simm.s32 @!p0 $0x108  }
0x21: {  	s3 =	sadd.s32 s3, s9;
	s6 =	sadd.s32 @!p0 $0x88, s6;
	s7 =	simm.s32 @p2 $0x1082  }
0x22: {  	[simem:s7], [sflag:s8] =	dma.local @!p0 [hbm:s6], $0xF7A  }
0x23: {  	s9 =	sor.u32 $0xD0000000, s2;
	s6 =	simm.s32 $0x108;
	_ =	swait.ge @!p0 [sflag:s8], $0x0  }
0x24: {  	s3 =	sadd.s32 $0x88, s3;
	s6 =	simm.s32 @!p1 $0x1082;
	[sflag:s4] =	ssyncset.s32 $0xFFFFF086  }
0x25: {  	[simem:s6], [sflag:s4] =	dma.local [hbm:s3], $0xF7A  }
0x26: {  	[smem:$0x3F9D] =	sst s1;
	(tag) =	ssettag s2;
	_ =	strace s9  }
0x27: {  	s1 =	sld [smem:$0x3FAD]  }
0x28: {  	s2 =	sld [smem:$0x3FAE]  }
0x29: {  	s4 =	sld [smem:$0x3FB0]  }
0x2a: {  	p0 =	seq.s32 s5, $0x0;
	s5 =	sld [smem:$0x3FB1]  }
0x2b: {  	s6 =	sld [smem:$0x3FB2]  }
0x2c: {  	s7 =	sld [smem:$0x3FB3]  }
0x2d: {  	s3 =	simm.s32 $0x108;
	s8 =	sld [smem:$0x3FB4]  }
0x2e: {  	s3 =	simm.s32 @!p0 $0x1082;
	s9 =	sld [smem:$0x3FB5]  }
0x2f: {  	lr =	sadd.s32 s0, s3;
	s0 =	sld [smem:$0x3FAC]  }
0x30: {  	s3 =	sld [smem:$0x3FAF]  }
0x31: {  	[smem:$0x3FB8] =	sst s10  }
0x32: {  	s10 =	sld [smem:$0x3FB6];
	_ =	sdelay $0x3  }
0x33: {  	p0 =	seq.s32 s10, $0x1;
	s10 =	sld [smem:$0x3FB8];
	_ =	sdelay $0x3  }
0x34: {  	[smem:$0x3FB8] =	sst s10  }
0x35: {  	s10 =	sld [smem:$0x3FB7];
	_ =	sdelay $0x3  }
0x36: {  	p1 =	seq.s32 s10, $0x1;
	s10 =	sld [smem:$0x3FB8];
	_ =	sdelay $0x3  }
0x37: {  	[smem:$0x3FB8] =	sst s10  }
0x38: {  	s10 =	sld [smem:$0x3FB9]  }
0x39: {  	_ = 	snop;
	(pc) =	sbr.ind lr, $3  }
0x3a: {  	_ = 	snop  }
0x3b: {  	_ = 	snop  }
0x3c: {  	p2 =	seq.s32 s10, $0x1;
	s10 =	sld [smem:$0x3FB8]  }
0x3d: {  	_ =	shalt  }
0x3e: {  	_ =	shalt  }
0x3f: {  	_ =	shalt  }
0x40: {  	_ =	shalt  }
0x41: {  	_ =	shalt  }
0x42: {  	_ =	shalt  }
0x43: {  	_ =	shalt  }
0x44: {  	_ =	shalt  }
0x45: {  	_ =	shalt  }
0x46: {  	_ =	shalt  }
0x47: {  	_ =	shalt  }
0x48: {  	_ =	shalt  }
0x49: {  	_ =	shalt  }
0x4a: {  	_ =	shalt  }
0x4b: {  	_ =	shalt  }
0x4c: {  	_ =	shalt  }
0x4d: {  	_ =	shalt  }
0x4e: {  	_ =	shalt  }
0x4f: {  	_ =	shalt  }
0x50: {  	_ =	shalt  }
0x51: {  	_ =	shalt  }
0x52: {  	_ =	shalt  }
0x53: {  	_ =	shalt  }
0x54: {  	_ =	shalt  }
0x55: {  	_ =	shalt  }
0x56: {  	_ =	shalt  }
0x57: {  	_ =	shalt  }
0x58: {  	_ =	shalt  }
0x59: {  	_ =	shalt  }
0x5a: {  	_ =	shalt  }
0x5b: {  	_ =	shalt  }
0x5c: {  	_ =	shalt  }
0x5d: {  	_ =	shalt  }
0x5e: {  	_ =	shalt  }
0x5f: {  	_ =	shalt  }
0x60: {  	_ =	shalt  }
0x61: {  	_ =	shalt  }
0x62: {  	_ =	shalt  }
0x63: {  	_ =	shalt  }
0x64: {  	_ =	shalt  }
0x65: {  	_ =	shalt  }
0x66: {  	_ =	shalt  }
0x67: {  	_ =	shalt  }
0x68: {  	_ =	shalt  }
0x69: {  	_ =	shalt  }
0x6a: {  	_ =	shalt  }
0x6b: {  	_ =	shalt  }
0x6c: {  	_ =	shalt  }
0x6d: {  	_ =	shalt  }
0x6e: {  	_ =	shalt  }
0x6f: {  	_ =	shalt  }
0x70: {  	_ =	shalt  }
0x71: {  	_ =	shalt  }
0x72: {  	_ =	shalt  }
0x73: {  	_ =	shalt  }
0x74: {  	_ =	shalt  }
0x75: {  	_ =	shalt  }
0x76: {  	_ =	shalt  }
0x77: {  	_ =	shalt  }
0x78: {  	_ =	shalt  }
0x79: {  	_ =	shalt  }
0x7a: {  	_ =	shalt  }
0x7b: {  	_ =	shalt  }
0x7c: {  	_ =	shalt  }
0x7d: {  	_ =	shalt  }
0x7e: {  	_ =	shalt  }
0x7f: {  	_ =	shalt  }
0x80: {  	_ =	shalt  }
0x81: {  	_ =	shalt  }
0x82: {  	_ =	shalt  }
0x83: {  	_ =	shalt  }
0x84: {  	_ =	shalt  }
0x85: {  	_ =	shalt  }
0x86: {  	_ =	shalt  }
0x87: {  	_ =	shalt  }
.Lfunc_end0:
.L_simem_size_0:
called_computation_lowered:
.L_overlay_start_0:
0x88: {  	s2 =	sld [smem:$0x3FD9]  }
0x89: {  	s3 =	sld [smem:$0x3FFE];
	_ =	sdelay $0x1  }
0x8a: {  	s1 =	srdreg.scid  }
0x8b: {  	s0 =	sand.u32 $0x1, s1  }
0x8c: {  	s17 =	sshll.u32 s0, $0xA;
	s2 =	sadd.s32 s3, s2  }
0x8d: {  	s2 =	sadd.s32 s2, s17  }
0x8e: {  	[smem:$0x3FC4] =	sst s2  }
0x8f: {  	_ = 	snop  }
0x90: {  	s2 =	sld [smem:$0x3FC8]  }
0x91: {  	s18 =	sld [smem:$0x3FD0];
	(tm) =	ssettm $0x1  }
0x92: {  	s4 =	sld [smem:$0x3FFB];
	_ =	sdelay $0x3  }
0x93: {  	_ =	strace s4  }
0x94: {  	s4 =	sld [smem:$0x3FFC];
	_ =	sdelay $0x3  }
0x95: {  	_ =	strace s4  }
0x96: {  	s4 =	sld [smem:$0x3FFD];
	_ =	sdelay $0x3  }
0x97: {  	_ =	strace s4  }
0x98: {  	_ =	strace $0x8FFFFFFF  }
0x99: {  	s19 =	sld [smem:$0x3FDB];
	_ =	sdelay $0x1  }
0x9a: {  	s5 =	simm.s32 $_scs_section_size  }
0x9b: {  	s6 =	simm.s32 $_size__tile_overlayer_lowered;
	s7 =	simm.s32 $_tile_overlayer_lowered  }
0x9c: {  	s22 =	simm.s32 $0x1BFF;
	s21 =	sshll.u32 s7, $0x1;
	s4 =	sadd.s32 s5, s19  }
0x9d: {  	s8 =	simm.s32 $0x0;
	s20 =	sshll.u32 s6, $0x1;
	s6 =	sadd.s32 s21, s4  }
0x9e: {  	[timem:s8], [sflag:s22] =	dma.local [hbm:s6], s20  }
0x9f: {  	_ =	swait.ge [sflag:s22], s20  }
0xa0: {  	s5 =	ssub.s32 $0x0, s20;
	[sflag:s22] =	ssyncset.done $0x0  }
0xa1: {  	[sflag:s22] =	ssyncadd.s32 s5;
	_ =	sdelay $0x1  }
0xa2: {  	s23 =	simm.s32 $0x1B8B  }
0xa3: {  	_ =	swait.ge [sflag:s23], $0x1  }
0xa4: {  	[sflag:s23] =	ssyncset.done $0x0  }
0xa5: {  	s25 =	simm.s32 $0x1B8E;
	s24 =	sld [smem:$0x3FFE];
	[sflag:s23] =	ssyncadd.s32 $0xFFFFFFFF  }
0xa6: {  	s26 =	simm.s32 $execute0_lowered;
	[smem:$0x3FD2] =	sst s25  }
0xa7: {  	s6 =	sshll.u32 s26, $0x1;
	_ =	strace $0x80000046;
	[dreg:$0x1] =	wrdreg $0xFFFFFFFF  }
0xa8: {  	s28 =	simm.s32 $_size_execute0_lowered;
	s4 =	sadd.s32 s4, s6;
	[dreg:$0x0] =	wrdreg $0x0  }
0xa9: {  	s6 =	sshll.u32 s28, $0x1;
	[dreg:$0x2] =	wrdreg s4  }
0xaa: {  	[dreg:$0x3] =	wrdreg s6  }
0xab: {  	[dreg:$0x4] =	wrdreg $0xC0  }
0xac: {  	_ =	task [dreg:s8], $0x5FFFF  }
0xad: {  	[dreg:$0x1] =	wrdreg $0xFFFFFFFF  }
0xae: {  	[dreg:$0x0] =	wrdreg $0x60  }
0xaf: {  	[dreg:$0x2] =	wrdreg s18  }
0xb0: {  	[dreg:$0x3] =	wrdreg s24  }
0xb1: {  	[dreg:$0x4] =	wrdreg s2  }
0xb2: {  	[dreg:$0x5] =	wrdreg $0xEE000  }
0xb3: {  	[dreg:$0x6] =	wrdreg $0xF0780  }
0xb4: {  	[dreg:$0x7] =	wrdreg $0x9  }
0xb5: {  	_ =	task.clear_ibuf [dreg:s8], $0x8FFFF;
	_ =	strace $0x90000046  }
0xb6: {  	s29 =	simm.s32 $0x9;
	_ =	strace $0x80000048  }
0xb7: {  	_ =	swait.ge [sflag:s29], $0x1  }
0xb8: {  	[sflag:s29] =	ssyncadd.s32 $0xFFFFFFFF  }
0xb9: {  	_ =	strace $0x90000048  }
0xba: {  	_ =	sfence  }
0xbb: {  	s30 =	sld [smem:$0x0];
	_ =	sdelay $0x2  }
0xbc: {  	s31 =	sshll.u32 s1, $0xD;
	s1 =	sshrl.u32 s1, $0x2  }
0xbd: {  	s3 =	sand.u32 $0x4000, s31;
	s1 =	sadd.s32 s1, s30  }
0xbe: {  	s0 =	sor.u32 s3, s0;
	s1 =	sshll.u32 s1, $0x11  }
0xbf: {  	s0 =	sor.u32 s1, s0  }
0xc0: {  	s0 =	sadd.s32 $0x8F2B, s0  }
0xc1: {  	[sflag:s0] =	ssyncadd.remote.s32 $0x1  }
0xc2: {  	_ =	sfence.sel $0xFFFF  }
0xc3: {  	[dreg:$0x0] =	wrdreg $0xFFFFFFFF;
	(pc) =	sbr.abs _section_cstart, $3  }
0xc4: {  	[dreg:$0x1] =	wrdreg $0xFFFFFFFF  }
0xc5: {  	_ =	task.clear_ibuf [dreg:s8], $0x2FFFF;
	_ =	strace $0x9FFFFFFF  }
0xc6: {  	(tm) =	ssettm $0x7FFFFFFF  }
0xc7: {  	_ =	shalt  }
tec
execute0_lowered:
.L_overlay_start_1:
0x0: {  	(tag) =	ssettag $0x1  }
0x1: {  	s0 =	srdreg.scid;
	s10 =	rddreg [dreg:$0x1]  }
0x2: {  	s9 =	stileid.u32;
	s3 =	rddreg [dreg:$0x2];
	s2 =	sand.u32 $0x1, s0  }
0x3: {  	s1 =	sshll.u32 s9, $0x1;
	s0 =	rddreg [dreg:$0x0];
	s4 =	smul.u32 $0x4E20, s9  }
0x4: {  	s8 =	sadd.s32 $0x1400, s10;
	p0 =	sne.s32 s9, $0x0;
	s9 =	sadd.s32 $0xE00, s10  }
0x5: {  	s1 =	sor.u32 s2, s1;
	s5 =	ssub.s32 $0x2, s2;
	s7 =	smul.u32 $0x2710, s2  }
0x6: {  	s11 =	smul.u32 $0x2710, s1;
	s1 =	simm.s32 $0x0;
	s17 =	sshrl.u32 s5, $0x1  }
0x7: {  	s12 =	ssub.s32 s5, s17;
	s18 =	sadd.s32 s7, s4;
	[smem:$0x7FF] =	sst s1  }
0x8: {  	s6 =	sshrl.u32 s11, $0x2;
	s19 =	sshrl.u32 s11, $0x3;
	s20 =	sadd.s32 $0x1388, s11  }
0x9: {  	s14 =	sadd.s32 $0x4F588, s11;
	s10 =	sand.u32 $0x70, s11;
	s11 =	smax.u32 s12, $0x1  }
0xa: {  	s6 =	sand.u32 $0x1FFE0, s6;
	s21 =	sshrl.u32 s20, $0x3;
	s14 =	sshrl.u32 s14, $0x3  }
0xb: {  	s2 =	sadd.s32 s3, s6;
	s6 =	sshrl.u32 s18, $0x4;
	s3 =	sadd.s32 s8, s19  }
0xc: {  	s4 =	sadd.s32 s8, s21;
	s13 =	sand.u32 $0x7, s6;
	s22 =	sadd.s32 $0x1, s6  }
0xd: {  	s24 =	sadd.s32 $0xFFFFFFFF, s6;
	s17 =	sadd.s32 $0x2, s6;
	s20 =	sadd.s32 $0x6, s6  }
0xe: {  	s21 =	sadd.s32 $0x3, s6;
	s7 =	sshll.u32 s13, $0x7;
	s5 =	sand.u32 $0x7, s22  }
0xf: {  	s17 =	sand.u32 $0x7, s17;
	s20 =	sand.u32 $0x7, s20;
	s21 =	sand.u32 $0x7, s21  }
0x10: {  	s12 =	sshll.u32 s13, $0x6;
	s13 =	sadd.s32 $0x9C40, s3;
	s15 =	sadd.s32 $0x80, s7  }
0x11: {  	s16 =	sshll.u32 s5, $0x6;
	s5 =	sadd.s32 s8, s14;
	s23 =	sadd.s32 $0x3FC, s7  }
0x12: {  	s14 =	sand.u32 $0x7, s24;
	s18 =	sadd.s32 $0x100, s7;
	s17 =	sshll.u32 s17, $0x6  }
0x13: {  	s25 =	sadd.s32 $0x300, s7;
	s22 =	sadd.s32 $0x180, s7;
	s20 =	sshll.u32 s20, $0x6  }
0x14: {  	s21 =	sshll.u32 s21, $0x6;
	s26 =	sadd.s32 $0x9F80, s7;
	s24 =	sadd.s32 $0x280, s7  }
0x15: {  	s29 =	sadd.s32 $0x9F00, s7;
	s31 =	sadd.s32 $0x9D00, s7;
	s15 =	sand.u32 $0x400, s15  }
0x16: {  	s8 =	sand.u32 $0x400, s23;
	s19 =	sshll.u32 s14, $0x6;
	s18 =	sand.u32 $0x400, s18  }
0x17: {  	s22 =	sand.u32 $0x400, s22;
	s30 =	sand.u32 $0xBC00, s29;
	s29 =	sadd.s32 $0x9E80, s7  }
0x18: {  	s24 =	sand.u32 $0x400, s24;
	s15 =	sor.u32 s16, s15;
	s14 =	sor.u32 s19, s8  }
0x19: {  	s18 =	sor.u32 s17, s18;
	s8 =	sand.u32 $0x400, s25;
	s22 =	sor.u32 s21, s22  }
0x1a: {  	s25 =	sadd.s32 $0x9C80, s7;
	s23 =	sor.u32 s20, s8;
	s8 =	sand.u32 $0xBC00, s26  }
0x1b: {  	s28 =	sand.u32 $0xBC00, s25;
	s20 =	sor.u32 s20, s30;
	s25 =	sand.u32 $0xBC00, s31  }
0x1c: {  	s26 =	sadd.s32 $0x9D80, s7;
	s30 =	sadd.s32 $0x200, s7;
	s7 =	sadd.s32 $0x9E00, s7  }
0x1d: {  	s15 =	sor.u32 $0x200, s15;
	s18 =	sor.u32 $0x200, s18;
	s19 =	sor.u32 s19, s8  }
0x1e: {  	s16 =	sor.u32 s16, s28;
	s17 =	sor.u32 s17, s25;
	s28 =	sadd.s32 $0x5, s6  }
0x1f: {  	s25 =	sand.u32 $0xBC00, s26;
	s26 =	sand.u32 $0x400, s30;
	s6 =	sadd.s32 $0x4, s6  }
0x20: {  	s7 =	sand.u32 $0xBC00, s7;
	s30 =	sor.u32 $0x200, s22;
	s23 =	sshrl.u32 s23, $0x2  }
0x21: {  	s20 =	sshrl.u32 s20, $0x2;
	s8 =	sand.u32 $0x7, s28;
	s21 =	sor.u32 s21, s25  }
0x22: {  	s25 =	sand.u32 $0xBC00, s29;
	s31 =	sand.u32 $0x7, s6;
	s6 =	rddreg [dreg:$0x3]  }
0x23: {  	s29 =	sor.u32 $0x200, s17;
	s17 =	sshrl.u32 s15, $0x2;
	s15 =	sshrl.u32 s18, $0x2  }
0x24: {  	s18 =	sshrl.u32 s30, $0x2;
	s30 =	sor.u32 $0x9C00, s12;
	v13 =	vmov s20;
	s20 =	simm.s32 $0xDA08  }
0x25: {  	s8 =	sshll.u32 s8, $0x6;
	s28 =	sshll.u32 s31, $0x6;
	s21 =	sor.u32 $0x200, s21  }
0x26: {  	s30 =	sshrl.u32 s30, $0x2;
	v0 =	vmov s17;
	v1 =	vmov s15;
	s15 =	simm.s32 $0x2780;
	s17 =	simm.s32 $0x9F00  }
0x27: {  	v2 =	vmov s18;
	s18 =	simm.s32 $0xC680;
	s24 =	sor.u32 s8, s24;
	s26 =	sor.u32 s28, s26  }
0x28: {  	s25 =	sor.u32 s8, s25;
	s31 =	sor.u32 $0x200, s26;
	s26 =	sor.u32 $0x200, s16  }
0x29: {  	v5 =	vmov s23;
	s8 =	rddreg [dreg:$0x4];
	s28 =	sor.u32 s28, s7;
	s23 =	sshrl.u32 s26, $0x2  }
0x2a: {  	s7 =	rddreg [dreg:$0x5];
	_ =	strace $0x80000047;
	s21 =	sshrl.u32 s21, $0x2;
	v8 =	vmov s23  }
0x2b: {  	v7 =	vmov s30;
	s28 =	sor.u32 $0x200, s28;
	s24 =	sshrl.u32 s24, $0x2;
	s26 =	sshrl.u32 s29, $0x2  }
0x2c: {  	v10 =	vmov s21;
	s30 =	sshrl.u32 s25, $0x2;
	s22 =	sshrl.u32 s31, $0x2;
	s31 =	sshrl.u32 s14, $0x2;
	v9 =	vmov s26  }
0x2d: {  	s16 =	simm.s32 $0x1;
	v4 =	vmov s24;
	s29 =	sshrl.u32 s28, $0x2;
	v12 =	vmov s30;
	v6 =	vmov s31;
	s31 =	sshrl.u32 s19, $0x2  }
0x2e: {  	s21 =	simm.s32 $0x0;
	s14 =	simm.s32 $0x4F00;
	v3 =	vmov s22;
	v11 =	vmov s29;
	s19 =	simm.s32 $0xB288;
	v14 =	vmov s31  }
.LBB2_1:
0x2f: {  	[tilespmem:s14], [sflag:$0x1] =	stream.linear.gather [hbm4b:s2+s1], $0x5000, $0x38;
	[tilespmem:$0xF2F0] =	vst v63  }
0x30: {  	s22 =	sshrl.u32 @!p0 s6, $0x3;
	s23 =	simm.s32 @!p0 $0x1C02  }
0x31: {  	[spmem:s22], [sflag:s23] =	dma.local @!p0 [hbm:s0], $0x4F0  }
0x32: {  	s22 =	simm.s32 @!p0 $0x2  }
0x33: {  	_ =	swait.ge @!p0 [sflag:s22], $0x4F0  }
0x34: {  	[sflag:s22] =	ssyncset.done @!p0 $0x0  }
0x35: {  	s24 =	sshrl.u32 @!p0 s8, $0x3;
	[sflag:s22] =	ssyncadd.s32 @!p0 $0xFFFFFB10  }
0x36: {  	[spmem:s24], [sflag:s23] =	dma.local @!p0 [hbm:s9], $0x4F0  }
0x37: {  	_ =	swait.ge @!p0 [sflag:s22], $0x4F0  }
0x38: {  	[sflag:s22] =	ssyncset.done @!p0 $0x0  }
0x39: {  	[sflag:s22] =	ssyncadd.s32 @!p0 $0xFFFFFB10  }
0x3a: {  	[bflag:$0x0] =	sbarrier.arrive $0xFFFF  }
0x3b: {  	[tilespmem:s1], [sflag:$0x1] =	stream.linear.gather [spmem:s6], $0x2780, $0x38;
	[tilespmem:$0xF2F0] =	vst v63  }
0x3c: {  	_ = 	snop  }
0x3d: {  	[tilespmem:s15], [sflag:$0x1] =	stream.linear.gather [spmem:s8], $0x2780, $0x38;
	[tilespmem:$0xF2F0] =	vst v63  }
0x3e: {  	_ =	swait.ge [sflag:s16], $0x2780  }
0x3f: {  	[sflag:s16] =	ssyncset.done $0x0  }
0x40: {  	[sflag:s16] =	ssyncadd.s32 $0xFFFFD880  }
0x41: {  	_ =	swait.ge [sflag:s16], $0x2780  }
0x42: {  	[sflag:s16] =	ssyncset.done $0x0  }
0x43: {  	[sflag:s16] =	ssyncadd.s32 $0xFFFFD880  }
0x44: {  	_ =	swait.ge [sflag:s16], $0x5000  }
0x45: {  	[sflag:s16] =	ssyncset.done $0x0  }
0x46: {  	s22 =	sshrl.u32 s12, $0x2;
	[sflag:s16] =	ssyncadd.s32 $0xFFFFB000  }
0x47: {  	s30 =	sadd.s32 $0x4F00, s22;
	v15 =	vld.idx.msk [tilespmem:v0+s14+$0xFFFFFF80 ss:$0x1], $0xffff  }
0x48: {  	v16 =	vld [tilespmem:s30+$0x0]  }
0x49: {  	v17 =	vld [tilespmem:s30+$0x80]  }
0x4a: {  	v18 =	vld.idx.msk [tilespmem:v0+s14+$0x0 ss:$0x1], $0xffff  }
0x4b: {  	v19 =	vld.idx.msk [tilespmem:v1+s14+$0xFFFFFF80 ss:$0x1], $0xffff  }
0x4c: {  	v20 =	vld.idx.msk [tilespmem:v1+s14+$0x0 ss:$0x1], $0xffff  }
0x4d: {  	v21 =	vld.idx.msk [tilespmem:v2+s14+$0xFFFFFF80 ss:$0x1], $0xffff  }
0x4e: {  	v22 =	vld.idx.msk [tilespmem:v2+s14+$0x0 ss:$0x1], $0xffff  }
0x4f: {  	v23 =	vld.idx.msk [tilespmem:v3+s14+$0xFFFFFF80 ss:$0x1], $0xffff  }
0x50: {  	v24 =	vld.idx.msk [tilespmem:v3+s14+$0x0 ss:$0x1], $0xffff  }
0x51: {  	v25 =	vld.idx.msk [tilespmem:v4+s14+$0x0 ss:$0x1], $0xffff  }
0x52: {  	v26 =	vld.idx.msk [tilespmem:v4+s14+$0x80 ss:$0x1], $0xffff  }
0x53: {  	v27 =	vld.idx.msk [tilespmem:v5+s14+$0x0 ss:$0x1], $0xffff  }
0x54: {  	v28 =	vld.idx.msk [tilespmem:v5+s14+$0x80 ss:$0x1], $0xffff  }
0x55: {  	v29 =	vld.idx.msk [tilespmem:v6+s14+$0x0 ss:$0x1], $0xffff  }
0x56: {  	s23 =	simm.s32 $0x5000;
	v30 =	vld.idx.msk [tilespmem:v6+s14+$0x80 ss:$0x1], $0xffff  }
0x57: {  	s31 =	sadd.s32 $0x5000, s22;
	v59 =	vld.idx.msk [tilespmem:v0+s23+$0xFFFFFF80 ss:$0x1], $0xffff  }
0x58: {  	v31 =	vld [tilespmem:s31+$0x80]  }
0x59: {  	v32 =	vld.idx.msk [tilespmem:v1+s23+$0x0 ss:$0x1], $0xffff  }
0x5a: {  	v60 =	vld.idx.msk [tilespmem:v4+s23+$0x0 ss:$0x1], $0xffff  }
0x5b: {  	v61 =	vld.idx.msk [tilespmem:v4+s23+$0x80 ss:$0x1], $0xffff  }
0x5c: {  	v62 =	vld.idx.msk [tilespmem:v5+s23+$0x0 ss:$0x1], $0xffff  }
0x5d: {  	v16 =	vld.idx.msk [tilespmem:v16+s1+$0x0], $0xffff  }
0x5e: {  	v17 =	vld.idx.msk [tilespmem:v17+s15+$0x0], $0xffff  }
0x5f: {  	v15 =	vld.idx.msk [tilespmem:v15+s1+$0x0], $0xffff  }
0x60: {  	v18 =	vld.idx.msk [tilespmem:v18+s15+$0x0], $0xffff  }
0x61: {  	v19 =	vld.idx.msk [tilespmem:v19+s1+$0x0], $0xffff  }
0x62: {  	v20 =	vld.idx.msk [tilespmem:v20+s15+$0x0], $0xffff  }
0x63: {  	v21 =	vld.idx.msk [tilespmem:v21+s1+$0x0], $0xffff  }
0x64: {  	v22 =	vld.idx.msk [tilespmem:v22+s15+$0x0], $0xffff  }
0x65: {  	v23 =	vld.idx.msk [tilespmem:v23+s1+$0x0], $0xffff  }
0x66: {  	v24 =	vld.idx.msk [tilespmem:v24+s15+$0x0], $0xffff  }
0x67: {  	v25 =	vld.idx.msk [tilespmem:v25+s1+$0x0], $0xffff;
	v16 =	vmul.f32 v17, v16  }
0x68: {  	v15 =	vmul.f32 v18, v15;
	v18 =	vld [tilespmem:s31+$0x0]  }
0x69: {  	v26 =	vld.idx.msk [tilespmem:v26+s15+$0x0], $0xffff;
	v16 =	vadd.f32 $1.000000000e+00, v16  }
0x6a: {  	v27 =	vld.idx.msk [tilespmem:v27+s1+$0x0], $0xffff  }
0x6b: {  	v28 =	vld.idx.msk [tilespmem:v28+s15+$0x0], $0xffff;
	v19 =	vmul.f32 v20, v19;
	v15 =	vadd.f32 $1.000000000e+00, v15;
	(erf) = vrcp.f32 v16  }
0x6c: {  	v29 =	vld.idx.msk [tilespmem:v29+s1+$0x0], $0xffff  }
0x6d: {  	v17 =	vld.idx.msk [tilespmem:v30+s15+$0x0], $0xffff;
	(erf) = vrcp.f32 v15;
	v15 =	vadd.f32 $1.000000000e+00, v19;
	v19 =	vmul.f32 v22, v21  }
0x6e: {  	v20 =	vld.idx.msk [tilespmem:v1+s23+$0xFFFFFF80 ss:$0x1], $0xffff;
	v23 =	vmul.f32 v24, v23  }
0x6f: {  	v16 =	vld.idx.msk [tilespmem:v0+s23+$0x0 ss:$0x1], $0xffff;
	v19 =	vadd.f32 $1.000000000e+00, v19;
	(erf) = vrcp.f32 v15  }
0x70: {  	v15 =	vld.idx.msk [tilespmem:v18+s1+$0x0], $0xffff;
	v18 =	vadd.f32 $1.000000000e+00, v23;
	v23 =	vmul.f32 v26, v25  }
0x71: {  	v33 =	vld.idx.msk [tilespmem:v5+s23+$0x80 ss:$0x1], $0xffff;
	(erf) = vrcp.f32 v19  }
0x72: {  	v19 =	vld.idx.msk [tilespmem:v31+s15+$0x0], $0xffff;
	v23 =	vadd.f32 $1.000000000e+00, v23  }
0x73: {  	v27 =	vmul.f32 v28, v27;
	v22 =	vld.idx.msk [tilespmem:v2+s23+$0x0 ss:$0x1], $0xffff  }
0x74: {  	v21 =	vld.idx.msk [tilespmem:v2+s23+$0xFFFFFF80 ss:$0x1], $0xffff;
	v17 =	vmul.f32 v17, v29;
	v26 =	vpop (erf);
	(erf) = vrcp.f32 v18  }
0x75: {  	s25 =	simm.s32 $0x9F40;
	v24 =	vld.idx.msk [tilespmem:v3+s23+$0xFFFFFF80 ss:$0x1], $0xffff;
	v27 =	vadd.f32 $1.000000000e+00, v27;
	v18 =	vsub.f32 $1.000000000e+00, v26;
	(erf) = vrcp.f32 v23  }
0x76: {  	s24 =	simm.s32 $0xC6C0;
	v17 =	vadd.f32 $1.000000000e+00, v17;
	v25 =	vld.idx.msk [tilespmem:v3+s23+$0x0 ss:$0x1], $0xffff;
	v23 =	vpop (erf);
	[tilespmem:s25+$0xFFFFFFC0] =	vst v26  }
0x77: {  	v20 =	vld.idx.msk [tilespmem:v20+s1+$0x0], $0xffff;
	v26 =	vsub.f32 $1.000000000e+00, v23;
	(erf) = vrcp.f32 v27;
	[tilespmem:s24+$0xFFFFFFC0] =	vst v18;
	v18 =	vmul.f32 v19, v15  }
0x78: {  	v16 =	vld.idx.msk [tilespmem:v16+s15+$0x0], $0xffff;
	[tilespmem:s25+$0xFFFFFFD0] =	vst v23;
	v19 =	vpop (erf)  }
0x79: {  	v27 =	vld.idx.msk [tilespmem:v6+s23+$0x0 ss:$0x1], $0xffff;
	(erf) = vrcp.f32 v17;
	[tilespmem:s24+$0xFFFFFFD0] =	vst v26;
	v17 =	vsub.f32 $1.000000000e+00, v19;
	v18 =	vadd.f32 $1.000000000e+00, v18  }
0x7a: {  	v23 =	vld.idx.msk [tilespmem:v59+s1+$0x0], $0xffff;
	[tilespmem:s25+$0xFFFFFFE0] =	vst v19;
	v19 =	vpop (erf)  }
0x7b: {  	v22 =	vld.idx.msk [tilespmem:v22+s15+$0x0], $0xffff;
	[tilespmem:s24+$0xFFFFFFE0] =	vst v17;
	v17 =	vsub.f32 $1.000000000e+00, v19;
	(erf) = vrcp.f32 v18  }
0x7c: {  	v26 =	vld.idx.msk [tilespmem:v21+s1+$0x0], $0xffff;
	[tilespmem:s25+$0xFFFFFFF0] =	vst v19  }
0x7d: {  	v19 =	vld.idx.msk [tilespmem:v32+s15+$0x0], $0xffff;
	[tilespmem:s24+$0xFFFFFFF0] =	vst v17;
	v18 =	vpop (erf)  }
0x7e: {  	v15 =	vld.idx.msk [tilespmem:v6+s23+$0x80 ss:$0x1], $0xffff;
	v17 =	vsub.f32 $1.000000000e+00, v18;
	[tilespmem:s25+$0x0] =	vst v18;
	v21 =	vpop (erf)  }
0x7f: {  	v23 =	vmul.f32 v16, v23;
	v16 =	vld.idx.msk [tilespmem:v60+s1+$0x0], $0xffff;
	[tilespmem:s25+$0x10] =	vst v21  }
0x80: {  	v18 =	vld.idx.msk [tilespmem:v24+s1+$0x0], $0xffff;
	v24 =	vpop (erf);
	[tilespmem:s24+$0x0] =	vst v17;
	v17 =	vsub.f32 $1.000000000e+00, v21  }
0x81: {  	v23 =	vadd.f32 $1.000000000e+00, v23;
	v21 =	vld.idx.msk [tilespmem:v25+s15+$0x0], $0xffff;
	[tilespmem:s25+$0x20] =	vst v24  }
0x82: {  	v26 =	vmul.f32 v22, v26;
	v22 =	vld.idx.msk [tilespmem:v27+s1+$0x0], $0xffff;
	v20 =	vmul.f32 v19, v20;
	[tilespmem:s24+$0x10] =	vst v17;
	v17 =	vsub.f32 $1.000000000e+00, v24;
	v24 =	vpop (erf)  }
0x83: {  	v19 =	vld.idx.msk [tilespmem:v61+s15+$0x0], $0xffff;
	v63 =	vsub.f32 $1.000000000e+00, v24;
	[tilespmem:s25+$0x30] =	vst v24  }
0x84: {  	(erf) = vrcp.f32 v23;
	v25 =	vadd.f32 $1.000000000e+00, v20;
	v20 =	vld.idx.msk [tilespmem:v33+s15+$0x0], $0xffff;
	[tilespmem:s24+$0x20] =	vst v17;
	v24 =	vpop (erf)  }
0x85: {  	s26 =	simm.s32 $0x8;
	s25 =	simm.s32 $0x9FC0;
	v17 =	vld.idx.msk [tilespmem:v62+s1+$0x0], $0xffff;
	[tilespmem:s24+$0x30] =	vst v63;
	v23 =	vsub.f32 $1.000000000e+00, v24  }
.LBB2_2:
0x86: {  	[tilespmem:s25+$0xFFFFFFC0] =	vst v24;
	v24 =	vadd.f32 $1.000000000e+00, v26;
	v18 =	vmul.f32 v21, v18;
	v15 =	vld.idx.msk [tilespmem:v15+s15+$0x0], $0xffff;
	s23 =	sadd.s32 $0x100, s23;
	(erf) = vrcp.f32 v25;
	s24 =	sadd.s32 $0x80, s24  }
0x87: {  	s26 =	sadd.s32 $0x8, s26;
	s28 =	sadd.s32 s22, s23;
	v21 =	vld.idx.msk [tilespmem:v0+s23+$0xFFFFFF80 ss:$0x1], $0xffff;
	[tilespmem:s24+$0xFFFFFFC0] =	vst v23  }
0x88: {  	p1 =	slt.u32 s26, $0x130;
	v16 =	vmul.f32 v19, v16;
	v23 =	vld [tilespmem:s28+$0x0];
	v18 =	vadd.f32 $1.000000000e+00, v18;
	(erf) = vrcp.f32 v24  }
0x89: {  	v19 =	vld [tilespmem:s28+$0x80]  }
0x8a: {  	v16 =	vadd.f32 $1.000000000e+00, v16;
	v17 =	vmul.f32 v20, v17;
	v24 =	vld.idx.msk [tilespmem:v0+s23+$0x0 ss:$0x1], $0xffff;
	(erf) = vrcp.f32 v18  }
0x8b: {  	v18 =	vld.idx.msk [tilespmem:v1+s23+$0xFFFFFF80 ss:$0x1], $0xffff  }
0x8c: {  	v17 =	vadd.f32 $1.000000000e+00, v17;
	v15 =	vmul.f32 v15, v22;
	v20 =	vld.idx.msk [tilespmem:v1+s23+$0x0 ss:$0x1], $0xffff;
	(erf) = vrcp.f32 v16  }
0x8d: {  	v16 =	vld.idx.msk [tilespmem:v2+s23+$0xFFFFFF80 ss:$0x1], $0xffff;
	v22 =	vpop (erf)  }
0x8e: {  	v15 =	vadd.f32 $1.000000000e+00, v15;
	v25 =	vld.idx.msk [tilespmem:v2+s23+$0x0 ss:$0x1], $0xffff;
	[tilespmem:s25+$0xFFFFFFD0] =	vst v22;
	v22 =	vsub.f32 $1.000000000e+00, v22;
	(erf) = vrcp.f32 v17  }
0x8f: {  	v17 =	vld.idx.msk [tilespmem:v3+s23+$0xFFFFFF80 ss:$0x1], $0xffff;
	v26 =	vpop (erf)  }
0x90: {  	v23 =	vld.idx.msk [tilespmem:v23+s1+$0x0], $0xffff;
	[tilespmem:s24+$0xFFFFFFD0] =	vst v22;
	v22 =	vsub.f32 $1.000000000e+00, v26;
	(erf) = vrcp.f32 v15  }
0x91: {  	v15 =	vld.idx.msk [tilespmem:v19+s15+$0x0], $0xffff;
	[tilespmem:s25+$0xFFFFFFE0] =	vst v26;
	v19 =	vpop (erf)  }
0x92: {  	v26 =	vld.idx.msk [tilespmem:v3+s23+$0x0 ss:$0x1], $0xffff;
	[tilespmem:s24+$0xFFFFFFE0] =	vst v22;
	v22 =	vsub.f32 $1.000000000e+00, v19  }
0x93: {  	v27 =	vld.idx.msk [tilespmem:v4+s23+$0x0 ss:$0x1], $0xffff;
	[tilespmem:s25+$0xFFFFFFF0] =	vst v19;
	v19 =	vpop (erf)  }
0x94: {  	v28 =	vld.idx.msk [tilespmem:v4+s23+$0x80 ss:$0x1], $0xffff;
	[tilespmem:s24+$0xFFFFFFF0] =	vst v22;
	v22 =	vsub.f32 $1.000000000e+00, v19  }
0x95: {  	v29 =	vld.idx.msk [tilespmem:v5+s23+$0x0 ss:$0x1], $0xffff;
	[tilespmem:s25+$0x0] =	vst v19;
	v19 =	vpop (erf)  }
0x96: {  	v30 =	vld.idx.msk [tilespmem:v5+s23+$0x80 ss:$0x1], $0xffff;
	[tilespmem:s24+$0x0] =	vst v22;
	v22 =	vsub.f32 $1.000000000e+00, v19  }
0x97: {  	v23 =	vmul.f32 v15, v23;
	v31 =	vld.idx.msk [tilespmem:v6+s23+$0x0 ss:$0x1], $0xffff;
	[tilespmem:s25+$0x10] =	vst v19;
	v19 =	vpop (erf)  }
0x98: {  	v15 =	vld.idx.msk [tilespmem:v6+s23+$0x80 ss:$0x1], $0xffff;
	[tilespmem:s24+$0x10] =	vst v22;
	v22 =	vsub.f32 $1.000000000e+00, v19  }
0x99: {  	v23 =	vadd.f32 $1.000000000e+00, v23;
	v21 =	vld.idx.msk [tilespmem:v21+s1+$0x0], $0xffff;
	[tilespmem:s25+$0x20] =	vst v19;
	v19 =	vpop (erf)  }
0x9a: {  	v24 =	vld.idx.msk [tilespmem:v24+s15+$0x0], $0xffff;
	[tilespmem:s24+$0x20] =	vst v22;
	v22 =	vsub.f32 $1.000000000e+00, v19  }
0x9b: {  	v32 =	vld.idx.msk [tilespmem:v18+s1+$0x0], $0xffff;
	(erf) = vrcp.f32 v23;
	[tilespmem:s25+$0x30] =	vst v19  }
0x9c: {  	v19 =	vld.idx.msk [tilespmem:v20+s15+$0x0], $0xffff;
	[tilespmem:s24+$0x30] =	vst v22  }
0x9d: {  	v20 =	vld.idx.msk [tilespmem:v16+s1+$0x0], $0xffff  }
0x9e: {  	v22 =	vld.idx.msk [tilespmem:v25+s15+$0x0], $0xffff  }
0x9f: {  	v18 =	vld.idx.msk [tilespmem:v17+s1+$0x0], $0xffff  }
0xa0: {  	v17 =	vmul.f32 v24, v21;
	v21 =	vld.idx.msk [tilespmem:v26+s15+$0x0], $0xffff  }
.Ltmp0:
0xa1: {  	v16 =	vld.idx.msk [tilespmem:v27+s1+$0x0], $0xffff;
	(pc) =	sbr.rel @p1 .LBB2_2-.Ltmp0, $4  }
0xa2: {  	v23 =	vadd.f32 $1.000000000e+00, v17;
	v27 =	vmul.f32 v19, v32;
	v19 =	vld.idx.msk [tilespmem:v28+s15+$0x0], $0xffff  }
0xa3: {  	v17 =	vld.idx.msk [tilespmem:v29+s1+$0x0], $0xffff  }
0xa4: {  	v25 =	vadd.f32 $1.000000000e+00, v27;
	v26 =	vmul.f32 v22, v20;
	v20 =	vld.idx.msk [tilespmem:v30+s15+$0x0], $0xffff;
	v24 =	vpop (erf);
	(erf) = vrcp.f32 v23  }
0xa5: {  	s25 =	sadd.s32 $0x80, s25;
	v23 =	vsub.f32 $1.000000000e+00, v24;
	v22 =	vld.idx.msk [tilespmem:v31+s1+$0x0], $0xffff  }
0xa6: {  	_ =	sdelay $0x3  }
0xa7: {  	v26 =	vadd.f32 $1.000000000e+00, v26;
	v18 =	vmul.f32 v21, v18;
	(erf) = vrcp.f32 v25;
	v15 =	vld.idx.msk [tilespmem:v15+s15+$0x0], $0xffff  }
0xa8: {  	v16 =	vmul.f32 v19, v16  }
0xa9: {  	v18 =	vadd.f32 $1.000000000e+00, v18;
	(erf) = vrcp.f32 v26  }
0xaa: {  	v16 =	vadd.f32 $1.000000000e+00, v16  }
0xab: {  	v17 =	vmul.f32 v20, v17;
	(erf) = vrcp.f32 v18  }
0xac: {  	v15 =	vmul.f32 v15, v22  }
0xad: {  	v17 =	vadd.f32 $1.000000000e+00, v17;
	(erf) = vrcp.f32 v16  }
0xae: {  	[tilespmem:s25+$0xFFFFFFC0] =	vst v24;
	s22 =	sadd.s32 $0x80, s24;
	v16 =	vpop (erf);
	v15 =	vadd.f32 $1.000000000e+00, v15  }
0xaf: {  	[tilespmem:s22+$0xFFFFFFC0] =	vst v23;
	(erf) = vrcp.f32 v17;
	v18 =	vsub.f32 $1.000000000e+00, v16  }
0xb0: {  	[tilespmem:s25+$0xFFFFFFD0] =	vst v16;
	v16 =	vpop (erf)  }
0xb1: {  	(erf) = vrcp.f32 v15;
	[tilespmem:s22+$0xFFFFFFD0] =	vst v18;
	v17 =	vsub.f32 $1.000000000e+00, v16  }
0xb2: {  	[tilespmem:s25+$0xFFFFFFE0] =	vst v16;
	v15 =	vpop (erf)  }
0xb3: {  	[tilespmem:s22+$0xFFFFFFE0] =	vst v17;
	v16 =	vsub.f32 $1.000000000e+00, v15  }
0xb4: {  	[tilespmem:s25+$0xFFFFFFF0] =	vst v15;
	v15 =	vpop (erf)  }
0xb5: {  	[tilespmem:s22+$0xFFFFFFF0] =	vst v16;
	v16 =	vsub.f32 $1.000000000e+00, v15  }
0xb6: {  	[tilespmem:s25+$0x0] =	vst v15;
	v15 =	vpop (erf)  }
0xb7: {  	[tilespmem:s22+$0x0] =	vst v16;
	v16 =	vsub.f32 $1.000000000e+00, v15  }
0xb8: {  	[tilespmem:s25+$0x10] =	vst v15;
	v15 =	vpop (erf)  }
0xb9: {  	[tilespmem:s22+$0x10] =	vst v16;
	v16 =	vsub.f32 $1.000000000e+00, v15  }
0xba: {  	[tilespmem:s25+$0x20] =	vst v15;
	v15 =	vpop (erf)  }
0xbb: {  	[tilespmem:s22+$0x20] =	vst v16;
	v16 =	vsub.f32 $1.000000000e+00, v15  }
0xbc: {  	[tilespmem:s25+$0x30] =	vst v15  }
0xbd: {  	[tilespmem:s22+$0x30] =	vst v16  }
0xbe: {  	[hbm4b:s3+s1] =	stream.linear.scatter [tilespmem:s17], [sflag:$0x1], $0x1388, $0x38;
	[tilespmem:$0xF2F0] =	vst v63  }
0xbf: {  	s31 =	simm.s32 $0x4F00  }
0xc0: {  	[hbm4b:s13+s1] =	stream.linear.scatter [tilespmem:s18], [sflag:$0x1], $0x1388, $0x38;
	[tilespmem:$0xF2F0] =	vst v63  }
0xc1: {  	v15 =	vld.idx.msk [tilespmem:v8+s31+$0x0 ss:$0x1], $0xffff  }
0xc2: {  	v16 =	vld.idx.msk [tilespmem:v7+s31+$0x0 ss:$0x1], $0xffff  }
0xc3: {  	v17 =	vld.idx.msk [tilespmem:v9+s31+$0x0 ss:$0x1], $0xffff  }
0xc4: {  	v18 =	vld.idx.msk [tilespmem:v7+s31+$0x80 ss:$0x1], $0xffff  }
0xc5: {  	v19 =	vld.idx.msk [tilespmem:v12+s31+$0x80 ss:$0x1], $0xffff  }
0xc6: {  	v20 =	vld.idx.msk [tilespmem:v13+s31+$0x80 ss:$0x1], $0xffff  }
0xc7: {  	v21 =	vld.idx.msk [tilespmem:v14+s31+$0x0 ss:$0x1], $0xffff  }
0xc8: {  	v22 =	vld.idx.msk [tilespmem:v10+s31+$0x0 ss:$0x1], $0xffff  }
0xc9: {  	v27 =	vld.idx.msk [tilespmem:v8+s31+$0xFFFFFF80 ss:$0x1], $0xffff  }
0xca: {  	v28 =	vld.idx.msk [tilespmem:v9+s31+$0xFFFFFF80 ss:$0x1], $0xffff  }
0xcb: {  	v29 =	vld.idx.msk [tilespmem:v10+s31+$0xFFFFFF80 ss:$0x1], $0xffff  }
0xcc: {  	v30 =	vld.idx.msk [tilespmem:v11+s31+$0xFFFFFF80 ss:$0x1], $0xffff  }
0xcd: {  	v31 =	vld.idx.msk [tilespmem:v12+s31+$0x0 ss:$0x1], $0xffff  }
0xce: {  	v23 =	vld.idx.msk [tilespmem:v15+s15+$0x0], $0xffff  }
0xcf: {  	v15 =	vld.idx.msk [tilespmem:v13+s31+$0x0 ss:$0x1], $0xffff  }
0xd0: {  	v25 =	vld.idx.msk [tilespmem:v17+s15+$0x0], $0xffff  }
0xd1: {  	v17 =	vld.idx.msk [tilespmem:v18+s15+$0x0], $0xffff  }
0xd2: {  	v18 =	vld.idx.msk [tilespmem:v11+s31+$0x0 ss:$0x1], $0xffff  }
0xd3: {  	v26 =	vld.idx.msk [tilespmem:v16+s1+$0x0], $0xffff  }
0xd4: {  	v16 =	vld.idx.msk [tilespmem:v22+s15+$0x0], $0xffff  }
0xd5: {  	v22 =	vld.idx.msk [tilespmem:v27+s1+$0x0], $0xffff  }
0xd6: {  	v20 =	vld.idx.msk [tilespmem:v20+s15+$0x0], $0xffff  }
0xd7: {  	v32 =	vld.idx.msk [tilespmem:v15+s1+$0x0], $0xffff  }
0xd8: {  	v24 =	vld.idx.msk [tilespmem:v14+s31+$0x80 ss:$0x1], $0xffff  }
0xd9: {  	v27 =	vld.idx.msk [tilespmem:v28+s1+$0x0], $0xffff  }
0xda: {  	v23 =	vmul.f32 v23, v22;
	v22 =	vld.idx.msk [tilespmem:v31+s1+$0x0], $0xffff  }
0xdb: {  	v15 =	vld.idx.msk [tilespmem:v21+s1+$0x0], $0xffff;
	v21 =	vmul.f32 v17, v26  }
0xdc: {  	v17 =	vld.idx.msk [tilespmem:v19+s15+$0x0], $0xffff;
	v19 =	vmul.f32 v20, v32  }
0xdd: {  	v18 =	vld.idx.msk [tilespmem:v18+s15+$0x0], $0xffff;
	v26 =	vadd.f32 $1.000000000e+00, v21  }
0xde: {  	v21 =	vld.idx.msk [tilespmem:v29+s1+$0x0], $0xffff;
	v63 =	vadd.f32 $1.000000000e+00, v19  }
0xdf: {  	s24 =	simm.s32 $0xDA70;
	s26 =	simm.s32 $0x138;
	s28 =	simm.s32 $0x5000;
	(erf) = vrcp.f32 v26;
	v20 =	vld.idx.msk [tilespmem:v30+s1+$0x0], $0xffff  }
0xe0: {  	s23 =	simm.s32 $0xB2F0;
	s25 =	simm.s32 $0xB2F0;
	s22 =	simm.s32 $0xDA70;
	v19 =	vld.idx.msk [tilespmem:v24+s15+$0x0], $0xffff;
	v24 =	vmul.f32 v25, v27;
	(erf) = vrcp.f32 v63  }
.LBB2_4:
0xe1: {  	v25 =	vld.idx.msk [tilespmem:v8+s28+$0x0 ss:$0x1], $0xffff;
	s26 =	sadd.s32 $0x8, s26;
	s24 =	sadd.s32 $0x80, s24;
	s25 =	sadd.s32 $0x80, s25  }
0xe2: {  	v23 =	vadd.f32 $1.000000000e+00, v23;
	v26 =	vld.idx.msk [tilespmem:v7+s28+$0x0 ss:$0x1], $0xffff;
	p1 =	slt.u32 s26, $0x268;
	v24 =	vadd.f32 $1.000000000e+00, v24  }
0xe3: {  	v16 =	vmul.f32 v16, v21;
	v27 =	vld.idx.msk [tilespmem:v9+s28+$0x0 ss:$0x1], $0xffff  }
0xe4: {  	v18 =	vmul.f32 v18, v20;
	v21 =	vld.idx.msk [tilespmem:v7+s28+$0x80 ss:$0x1], $0xffff;
	(erf) = vrcp.f32 v23  }
0xe5: {  	v20 =	vld.idx.msk [tilespmem:v12+s28+$0x80 ss:$0x1], $0xffff;
	(erf) = vrcp.f32 v24  }
0xe6: {  	v16 =	vadd.f32 $1.000000000e+00, v16;
	v15 =	vmul.f32 v19, v15;
	v17 =	vmul.f32 v17, v22;
	v23 =	vld.idx.msk [tilespmem:v13+s28+$0x80 ss:$0x1], $0xffff  }
0xe7: {  	v18 =	vadd.f32 $1.000000000e+00, v18;
	v19 =	vld.idx.msk [tilespmem:v14+s28+$0x0 ss:$0x1], $0xffff  }
0xe8: {  	v15 =	vadd.f32 $1.000000000e+00, v15;
	v17 =	vadd.f32 $1.000000000e+00, v17;
	v22 =	vld.idx.msk [tilespmem:v10+s28+$0x0 ss:$0x1], $0xffff;
	v24 =	vpop (erf);
	(erf) = vrcp.f32 v16  }
0xe9: {  	v28 =	vld.idx.msk [tilespmem:v14+s28+$0x80 ss:$0x1], $0xffff;
	[tilespmem:s23+$0xFFFFFF90] =	vst v24;
	v16 =	vsub.f32 $1.000000000e+00, v24;
	v24 =	vpop (erf)  }
0xea: {  	v25 =	vld.idx.msk [tilespmem:v25+s15+$0x0], $0xffff;
	[tilespmem:s23+$0xFFFFFFF0] =	vst v24;
	v24 =	vsub.f32 $1.000000000e+00, v24;
	(erf) = vrcp.f32 v18  }
0xeb: {  	v18 =	vld.idx.msk [tilespmem:v13+s28+$0x0 ss:$0x1], $0xffff;
	[tilespmem:s22+$0xFFFFFF90] =	vst v16;
	(erf) = vrcp.f32 v15  }
0xec: {  	v27 =	vld.idx.msk [tilespmem:v27+s15+$0x0], $0xffff;
	(erf) = vrcp.f32 v17  }
0xed: {  	v17 =	vld.idx.msk [tilespmem:v21+s15+$0x0], $0xffff;
	v15 =	vpop (erf)  }
0xee: {  	v21 =	vld.idx.msk [tilespmem:v11+s28+$0x0 ss:$0x1], $0xffff;
	v30 =	vsub.f32 $1.000000000e+00, v15;
	[tilespmem:s22+$0xFFFFFFF0] =	vst v24;
	v24 =	vpop (erf)  }
0xef: {  	v26 =	vld.idx.msk [tilespmem:v26+s1+$0x0], $0xffff;
	[tilespmem:s23+$0xFFFFFFB0] =	vst v24  }
0xf0: {  	v33 =	vsub.f32 $1.000000000e+00, v24;
	v29 =	vld.idx.msk [tilespmem:v8+s28+$0xFFFFFF80 ss:$0x1], $0xffff;
	[tilespmem:s23+$0xFFFFFFA0] =	vst v15  }
0xf1: {  	v24 =	vld.idx.msk [tilespmem:v9+s28+$0xFFFFFF80 ss:$0x1], $0xffff;
	[tilespmem:s22+$0xFFFFFFA0] =	vst v30;
	v16 =	vpop (erf)  }
0xf2: {  	v30 =	vld.idx.msk [tilespmem:v10+s28+$0xFFFFFF80 ss:$0x1], $0xffff;
	[tilespmem:s23+$0xFFFFFFC0] =	vst v16;
	v31 =	vsub.f32 $1.000000000e+00, v16  }
0xf3: {  	v32 =	vld.idx.msk [tilespmem:v11+s28+$0xFFFFFF80 ss:$0x1], $0xffff;
	[tilespmem:s22+$0xFFFFFFB0] =	vst v33;
	v15 =	vpop (erf)  }
0xf4: {  	v33 =	vld.idx.msk [tilespmem:v12+s28+$0x0 ss:$0x1], $0xffff;
	[tilespmem:s23+$0xFFFFFFD0] =	vst v15;
	v34 =	vsub.f32 $1.000000000e+00, v15;
	v15 =	vpop (erf)  }
0xf5: {  	v23 =	vld.idx.msk [tilespmem:v23+s15+$0x0], $0xffff;
	[tilespmem:s23+$0x0] =	vst v15;
	v35 =	vsub.f32 $1.000000000e+00, v15;
	v15 =	vpop (erf)  }
0xf6: {  	v36 =	vld.idx.msk [tilespmem:v18+s1+$0x0], $0xffff;
	[tilespmem:s23+$0xFFFFFFE0] =	vst v15;
	v18 =	vsub.f32 $1.000000000e+00, v15;
	s23 =	smov.u32 s25  }
0xf7: {  	v16 =	vld.idx.msk [tilespmem:v22+s15+$0x0], $0xffff;
	[tilespmem:s22+$0xFFFFFFC0] =	vst v31  }
0xf8: {  	v15 =	vld.idx.msk [tilespmem:v19+s1+$0x0], $0xffff;
	[tilespmem:s22+$0xFFFFFFD0] =	vst v34  }
0xf9: {  	v19 =	vld.idx.msk [tilespmem:v29+s1+$0x0], $0xffff;
	[tilespmem:s22+$0x0] =	vst v35  }
0xfa: {  	v22 =	vld.idx.msk [tilespmem:v24+s1+$0x0], $0xffff;
	[tilespmem:s22+$0xFFFFFFE0] =	vst v18;
	s22 =	smov.u32 s24  }
0xfb: {  	v24 =	vmul.f32 v17, v26;
	v17 =	vld.idx.msk [tilespmem:v20+s15+$0x0], $0xffff  }
.Ltmp1:
0xfc: {  	v23 =	vmul.f32 v23, v36;
	v18 =	vld.idx.msk [tilespmem:v21+s15+$0x0], $0xffff;
	(pc) =	sbr.rel @p1 .LBB2_4-.Ltmp1, $4  }
0xfd: {  	v24 =	vadd.f32 $1.000000000e+00, v24;
	v21 =	vld.idx.msk [tilespmem:v30+s1+$0x0], $0xffff  }
0xfe: {  	v26 =	vadd.f32 $1.000000000e+00, v23;
	v20 =	vld.idx.msk [tilespmem:v32+s1+$0x0], $0xffff  }
0xff: {  	v23 =	vmul.f32 v25, v19;
	v19 =	vld.idx.msk [tilespmem:v28+s15+$0x0], $0xffff;
	(erf) = vrcp.f32 v24  }
0x100: {  	s28 =	sadd.s32 $0x100, s28;
	v24 =	vmul.f32 v27, v22;
	v22 =	vld.idx.msk [tilespmem:v33+s1+$0x0], $0xffff;
	(erf) = vrcp.f32 v26  }
0x101: {  	_ = 	snop  }
0x102: {  	v23 =	vadd.f32 $1.000000000e+00, v23  }
0x103: {  	v24 =	vadd.f32 $1.000000000e+00, v24;
	v16 =	vmul.f32 v16, v21  }
0x104: {  	(erf) = vrcp.f32 v23  }
0x105: {  	v18 =	vmul.f32 v18, v20;
	(erf) = vrcp.f32 v24;
	v16 =	vadd.f32 $1.000000000e+00, v16  }
0x106: {  	v15 =	vmul.f32 v19, v15  }
0x107: {  	v17 =	vmul.f32 v17, v22;
	v18 =	vadd.f32 $1.000000000e+00, v18;
	(erf) = vrcp.f32 v16  }
0x108: {  	v15 =	vadd.f32 $1.000000000e+00, v15;
	v55 =	vpop (erf)  }
0x109: {  	v54 =	vadd.f32 $1.000000000e+00, v17;
	(erf) = vrcp.f32 v18;
	v56 =	vpop (erf)  }
0x10a: {  	[tilespmem:s23+$0xFFFFFF90] =	vst v55;
	v17 =	vsub.f32 $1.000000000e+00, v55;
	(erf) = vrcp.f32 v15;
	v15 =	vsub.f32 $1.000000000e+00, v56  }
0x10b: {  	[tilespmem:s23+$0xFFFFFFF0] =	vst v56  }
0x10c: {  	(erf) = vrcp.f32 v54;
	[tilespmem:s22+$0xFFFFFF90] =	vst v17  }
0x10d: {  	v57 =	vpop (erf);
	[tilespmem:s22+$0xFFFFFFF0] =	vst v15  }
0x10e: {  	v58 =	vsub.f32 $1.000000000e+00, v57;
	[tilespmem:s23+$0xFFFFFFA0] =	vst v57;
	v15 =	vpop (erf)  }
0x10f: {  	[tilespmem:s23+$0xFFFFFFB0] =	vst v15;
	v15 =	vsub.f32 $1.000000000e+00, v15  }
0x110: {  	[tilespmem:s22+$0xFFFFFFA0] =	vst v58;
	v59 =	vpop (erf)  }
0x111: {  	[tilespmem:s23+$0xFFFFFFC0] =	vst v59;
	v16 =	vsub.f32 $1.000000000e+00, v59  }
0x112: {  	[tilespmem:s22+$0xFFFFFFB0] =	vst v15  }
0x113: {  	[tilespmem:s22+$0xFFFFFFC0] =	vst v16;
	v15 =	vpop (erf)  }
0x114: {  	[tilespmem:s23+$0xFFFFFFD0] =	vst v15;
	v60 =	vpop (erf)  }
0x115: {  	v15 =	vsub.f32 $1.000000000e+00, v15;
	[tilespmem:s23+$0x0] =	vst v60;
	v61 =	vpop (erf)  }
0x116: {  	v17 =	vsub.f32 $1.000000000e+00, v60;
	[tilespmem:s23+$0xFFFFFFE0] =	vst v61  }
0x117: {  	v62 =	vsub.f32 $1.000000000e+00, v61;
	[tilespmem:s22+$0xFFFFFFD0] =	vst v15  }
0x118: {  	[tilespmem:s22+$0x0] =	vst v17  }
0x119: {  	[tilespmem:s22+$0xFFFFFFE0] =	vst v62  }
0x11a: {  	v15 =	vld [tilespmem:s10+$0x9D00]  }
0x11b: {  	v16 =	vld [tilespmem:s10+$0x9D80];
	_ =	sdelay $0x6  }
0x11c: {  	v15 =	vld.idx.msk [tilespmem:v15+s1+$0x0], $0xffff  }
0x11d: {  	v16 =	vld.idx.msk [tilespmem:v16+s15+$0x0], $0xffff;
	_ =	sdelay $0x4  }
0x11e: {  	v15 =	vmul.f32 v16, v15;
	_ =	sdelay $0x1  }
0x11f: {  	v15 =	vadd.f32 $1.000000000e+00, v15;
	_ =	sdelay $0x1  }
0x120: {  	(erf) = vrcp.f32 v15;
	_ =	sdelay $0x8  }
0x121: {  	v15 =	vpop (erf)  }
0x122: {  	v63 =	vsub.f32 $1.000000000e+00, v15  }
0x123: {  	[tilespmem:$0xC600] =	vst v15  }
0x124: {  	[tilespmem:$0xED80] =	vst v63  }
0x125: {  	[hbm4b:s4+s1] =	stream.linear.scatter [tilespmem:s19], [sflag:$0x1], $0x1388, $0x38;
	[tilespmem:$0xF2F0] =	vst v63  }
0x126: {  	_ = 	snop  }
0x127: {  	[hbm4b:s5+s1] =	stream.linear.scatter [tilespmem:s20], [sflag:$0x1], $0x1388, $0x38;
	[tilespmem:$0xF2F0] =	vst v63  }
0x128: {  	_ =	swait.ge [sflag:s16], $0x1388  }
0x129: {  	[sflag:s16] =	ssyncset.done $0x0  }
0x12a: {  	[sflag:s16] =	ssyncadd.s32 $0xFFFFEC78  }
0x12b: {  	_ =	swait.ge [sflag:s16], $0x1388  }
0x12c: {  	[sflag:s16] =	ssyncset.done $0x0  }
0x12d: {  	s21 =	sadd.s32 $0x1, s21;
	[sflag:s16] =	ssyncadd.s32 $0xFFFFEC78  }
0x12e: {  	p1 =	sne.s32 s21, s11;
	_ =	swait.ge [sflag:s16], $0x1388  }
.Ltmp2:
0x12f: {  	[sflag:s16] =	ssyncset.done $0x0;
	(pc) =	sbr.rel @p1 .LBB2_1-.Ltmp2, $4  }
0x130: {  	[sflag:s16] =	ssyncadd.s32 $0xFFFFEC78  }
0x131: {  	_ =	swait.ge [sflag:s16], $0x1388  }
0x132: {  	[sflag:s16] =	ssyncset.done $0x0  }
0x133: {  	[sflag:s16] =	ssyncadd.s32 $0xFFFFEC78  }
0x134: {  	_ =	sfence.sel $0x180000  }
0x135: {  	[bflag:$0x0] =	sbarrier.arrive $0xFFFF  }
0x136: {  	_ =	strace $0x90000047  }
0x137: {  	s0 =	sadd.s32 @!p0 $0x100000, s7;
	[bflag:$0x2] =	sbarrier.arrive $0xFFFF  }
0x138: {  	[sflag:s0] =	ssyncadd.tile.s32 @!p0 $0x1;
	_ =	shalt  }
.Lfunc_end2:
_tile_overlayer_lowered:
.L_overlay_start_2:
0x139: {  	(tag) =	ssettag $0x2  }
0x13a: {  	s0 =	rddreg [dreg:$0x0];
	s2 =	stileid.u32  }
0x13b: {  	s1 =	rddreg [dreg:$0x1];
	p0 =	sne.s32 s2, $0x0  }
0x13c: {  	s3 =	rddreg [dreg:$0x2];
	[bflag:$0x3] =	sbarrier.arrive $0xFFFF;
	s2 =	simm.s32 @!p0 $0x1C02  }
0x13d: {  	[timem:s3], [sflag:s2] =	dma.local @!p0 [hbm:s0], s1  }
0x13e: {  	s0 =	simm.s32 @!p0 $0x2  }
0x13f: {  	_ =	swait.ge @!p0 [sflag:s0], s1  }
0x140: {  	s1 =	ssub.s32 @!p0 $0x0, s1;
	[sflag:s0] =	ssyncset.done @!p0 $0x0  }
0x141: {  	[sflag:s0] =	ssyncadd.s32 @!p0 s1  }
0x142: {  	[bflag:$0x3] =	sbarrier.arrive $0xFFFF  }
0x143: {  	_ =	shalt  }

</sc_bundles>
